<compile_context>
chip_gen: v7x
topology: tpu7x:2x2x1
jax: 0.10.2.dev20260603
libtpu: 0.0.44.dev20260713+nightly
codegen_flags: <defaults>
</compile_context>

<pallas_src>
import functools

import jax
import jax.numpy as jnp
from jax import lax
from jax.experimental import pallas as pl
from jax.experimental.pallas import tpu as pltpu
from jax.experimental.pallas import tpu_sc as plsc

N = 10000
D = 128
DG = 16
E = 320000
NC = 2
NS = 16
NW = NC * NS
EPW = E // NW
CHUNK = 120
NCHUNK = 84
EPWP = NCHUNK * CHUNK
RPS = 632
NP = NS * RPS


def _sc_aggregate(h, src, dst, zeros_blk, zeros_deg, ones_deg, with_deg):
    mesh = plsc.VectorSubcoreMesh(core_axis_name="c", subcore_axis_name="s")

    out_type = [jax.ShapeDtypeStruct((NC, NP, D), jnp.bfloat16)]
    scratch = [
        pltpu.VMEM((NCHUNK, CHUNK), jnp.int32),
        pltpu.VMEM((NCHUNK, CHUNK), jnp.int32),
        pltpu.VMEM((2, CHUNK, D), jnp.bfloat16),
        pltpu.VMEM_SHARED((NP, D), jnp.bfloat16),
        pltpu.SemaphoreType.DMA((2,)),
        pltpu.SemaphoreType.DMA,
        pltpu.SemaphoreType.DMA,
    ]
    if with_deg:
        out_type.append(jax.ShapeDtypeStruct((NC, NP, DG), jnp.float32))
        scratch.append(pltpu.VMEM((CHUNK, DG), jnp.float32))
        scratch.append(pltpu.VMEM_SHARED((NP, DG), jnp.float32))

    @functools.partial(
        pl.kernel,
        out_type=out_type,
        mesh=mesh,
        scratch_types=scratch,
        compiler_params=pltpu.CompilerParams(use_tc_tiling_on_sc=False),
    )
    def agg(h_hbm, src_hbm, dst_hbm, z_hbm, zd_hbm, ones_hbm, *refs):
        if with_deg:
            (out_hbm, outd_hbm, src_v, dst_v, rows_v, acc_sh,
             gsem, sem1, sem2, ones_v, deg_sh) = refs
        else:
            out_hbm, src_v, dst_v, rows_v, acc_sh, gsem, sem1, sem2 = refs
        c = lax.axis_index("c")
        s = lax.axis_index("s")
        wid = c * NS + s

        pltpu.async_copy(z_hbm, acc_sh.at[pl.ds(s * RPS, RPS)], sem2)
        pltpu.async_copy(src_hbm.at[wid], src_v, gsem.at[0])
        pltpu.async_copy(dst_hbm.at[wid], dst_v, sem1)
        pltpu.make_async_copy(src_hbm.at[wid], src_v, gsem.at[0]).wait()
        pltpu.make_async_copy(dst_hbm.at[wid], dst_v, sem1).wait()
        if with_deg:
            pltpu.async_copy(zd_hbm, deg_sh.at[pl.ds(s * RPS, RPS)], sem1)
            pltpu.async_copy(ones_hbm, ones_v, gsem.at[1])
            pltpu.make_async_copy(ones_hbm, ones_v, gsem.at[1]).wait()
            pltpu.make_async_copy(zd_hbm, deg_sh.at[pl.ds(s * RPS, RPS)],
                                  sem1).wait()
        pltpu.make_async_copy(z_hbm, acc_sh.at[pl.ds(s * RPS, RPS)], sem2).wait()
        plsc.subcore_barrier()

        @pl.loop(0, NCHUNK + 1)
        def _(t):
            @pl.when(t < NCHUNK)
            def _():
                b = lax.rem(t, 2)
                pltpu.async_copy(h_hbm.at[src_v.at[t]], rows_v.at[b],
                                 gsem.at[b])

            @pl.when(t >= 1)
            def _():
                bp = lax.rem(t - 1, 2)
                pltpu.make_async_copy(h_hbm.at[src_v.at[t - 1]],
                                      rows_v.at[bp], gsem.at[bp]).wait()
                pltpu.sync_copy(rows_v.at[bp], acc_sh.at[dst_v.at[t - 1]],
                                add=True)
                if with_deg:
                    pltpu.sync_copy(ones_v, deg_sh.at[dst_v.at[t - 1]],
                                    add=True)

        plsc.subcore_barrier()
        pltpu.sync_copy(acc_sh.at[pl.ds(s * RPS, RPS)],
                        out_hbm.at[c, pl.ds(s * RPS, RPS)])
        if with_deg:
            pltpu.sync_copy(deg_sh.at[pl.ds(s * RPS, RPS)],
                            outd_hbm.at[c, pl.ds(s * RPS, RPS)])

    return agg(h, src, dst, zeros_blk, zeros_deg, ones_deg)


def _layer_body(h_ref, acc_ref, deg_ref, ws_ref, wn_ref, b_ref, *out_ref,
                relu):
    out_ref = out_ref[0] if len(out_ref) == 1 else out_ref
    h = h_ref[...]
    a = (acc_ref[0].astype(jnp.float32)
         + acc_ref[1].astype(jnp.float32))
    deg = jnp.maximum(deg_ref[0, :, 0:1] + deg_ref[1, :, 0:1], 1.0)
    hn = a / deg
    dn = (((1,), (1,)), ((), ()))
    out = lax.dot_general(h, ws_ref[...], dn,
                          preferred_element_type=jnp.float32)
    out = out + lax.dot_general(hn, wn_ref[...], dn,
                                preferred_element_type=jnp.float32)
    out = out + b_ref[...]
    if relu:
        out = jnp.maximum(out, 0.0)
    if isinstance(out_ref, (list, tuple)):
        out_ref[0][...] = out
        out_ref[1][...] = out.astype(jnp.bfloat16)
    else:
        out_ref[...] = out


def _tc_layer(h, acc, deg, W_self, W_neigh, b, *, relu, bf_out=False):
    BS = 1000
    out_specs = pl.BlockSpec((BS, D), lambda i: (i, 0))
    out_shape = jax.ShapeDtypeStruct((N, D), jnp.float32)
    if bf_out:
        out_specs = [out_specs, pl.BlockSpec((BS, D), lambda i: (i, 0))]
        out_shape = [out_shape, jax.ShapeDtypeStruct((N, D), jnp.bfloat16)]
    return pl.pallas_call(
        functools.partial(_layer_body, relu=relu),
        grid=(N // BS,),
        in_specs=[
            pl.BlockSpec((BS, D), lambda i: (i, 0)),
            pl.BlockSpec((NC, BS, D), lambda i: (0, i, 0)),
            pl.BlockSpec((NC, BS, DG), lambda i: (0, i, 0)),
            pl.BlockSpec((D, D), lambda i: (0, 0)),
            pl.BlockSpec((D, D), lambda i: (0, 0)),
            pl.BlockSpec((1, D), lambda i: (0, 0)),
        ],
        out_specs=out_specs,
        out_shape=out_shape,
    )(h, acc, deg, W_self, W_neigh, b)


def kernel(feat, edge_index, W_self0, W_neigh0, b0, W_self1, W_neigh1, b1):
    src = edge_index[0].astype(jnp.int32).reshape(NW, EPW)
    dst = edge_index[1].astype(jnp.int32).reshape(NW, EPW)
    pad = EPWP - EPW
    src = jnp.pad(src, ((0, 0), (0, pad))).reshape(NW, NCHUNK, CHUNK)
    pad_dst = jnp.broadcast_to(N + (jnp.arange(pad, dtype=jnp.int32) % (NP - N)),
                               (NW, pad))
    dst = jnp.concatenate([dst, pad_dst], axis=1).reshape(NW, NCHUNK, CHUNK)
    zeros_blk = jnp.zeros((RPS, D), jnp.bfloat16)
    zeros_deg = jnp.zeros((RPS, DG), jnp.float32)
    ones_deg = jnp.ones((CHUNK, DG), jnp.float32)
    b0r = b0.reshape(1, D)
    b1r = b1.reshape(1, D)

    feat_bf = feat.astype(jnp.bfloat16)
    acc0, deg = _sc_aggregate(feat_bf, src, dst, zeros_blk, zeros_deg,
                              ones_deg, with_deg=True)
    h1, h1_bf = _tc_layer(feat, acc0, deg, W_self0, W_neigh0, b0r, relu=True,
                          bf_out=True)
    acc1 = _sc_aggregate(h1_bf, src, dst, zeros_blk, zeros_deg, ones_deg,
                         with_deg=False)[0]
    out = _tc_layer(h1, acc1, deg, W_self1, W_neigh1, b1r, relu=False)
    return out

# --- scband reference (transcript-rebuilt; emitter-appended) ---
"""Pipeline reference for scband-sage-4947802325594 (READ-ONLY COPY).

The authoritative reference and input builder live on the scoring server;
editing this copy changes nothing except your own understanding.
"""

import jax, jax.numpy as jnp
import numpy as np

N_NODES = 10000
N_EDGES = 320000
D = 128


def setup_inputs(seed: int = 0) -> dict:
    key = jax.random.key(seed)
    ks = jax.random.split(key, 10)
    feat = jax.random.normal(ks[0], (N_NODES, D), dtype=jnp.float32)
    edge_index = jax.random.randint(ks[1], (2, N_EDGES), 0, N_NODES, dtype=jnp.int64)
    s = 1.0 / np.sqrt(D)
    W_self0 = jax.random.uniform(ks[2], (D, D), jnp.float32, -s, s)
    W_neigh0 = jax.random.uniform(ks[3], (D, D), jnp.float32, -s, s)
    b0 = jnp.zeros((D,), jnp.float32)
    W_self1 = jax.random.uniform(ks[4], (D, D), jnp.float32, -s, s)
    W_neigh1 = jax.random.uniform(ks[5], (D, D), jnp.float32, -s, s)
    b1 = jnp.zeros((D,), jnp.float32)
    return {"feat": feat, "edge_index": edge_index,
            "W_self0": W_self0, "W_neigh0": W_neigh0, "b0": b0,
            "W_self1": W_self1, "W_neigh1": W_neigh1, "b1": b1}


def _sage_conv(h, src, dst, W_self, W_neigh, b, activation):
    # mean aggregation of neighbor messages (src -> dst)
    msg = jnp.take(h, src, axis=0)
    agg = jax.ops.segment_sum(msg, dst, num_segments=N_NODES)
    deg = jax.ops.segment_sum(jnp.ones((src.shape[0],), jnp.float32), dst, num_segments=N_NODES)
    h_neigh = agg / jnp.maximum(deg, 1.0)[:, None]
    out = h @ W_self.T + h_neigh @ W_neigh.T + b
    if activation:
        out = jax.nn.relu(out)
    return out


def reference(feat, edge_index, W_self0, W_neigh0, b0, W_self1, W_neigh1, b1):
    src = edge_index[0]
    dst = edge_index[1]
    h = _sage_conv(feat, src, dst, W_self0, W_neigh0, b0, activation=True)
    # dropout is identity at inference
    h = _sage_conv(h, src, dst, W_self1, W_neigh1, b1, activation=False)
    return h

if __name__ == "__main__":
    import jax
    _d = setup_inputs()
    print(jax.jit(kernel)(*tuple(_d.values())))

</pallas_src>

<mosaic_0001>
#map = affine_map<(d0, d1) -> (0, 0)>
#map1 = affine_map<(d0, d1) -> (0, 0, 0)>
module attributes {stable_mosaic.version = 14 : i64} {
  func.func @agg(%arg0: i32, %arg1: i32, %arg2: memref<10000x128xbf16, #tpu.memory_space<hbm>>, %arg3: memref<32x84x120xi32, #tpu.memory_space<hbm>>, %arg4: memref<32x84x120xi32, #tpu.memory_space<hbm>>, %arg5: memref<632x128xbf16, #tpu.memory_space<hbm>>, %arg6: memref<632x16xf32, #tpu.memory_space<hbm>>, %arg7: memref<120x16xf32, #tpu.memory_space<hbm>>, %arg8: memref<2x10112x128xbf16, #tpu.memory_space<hbm>>, %arg9: memref<2x10112x16xf32, #tpu.memory_space<hbm>>, %arg10: memref<84x120xi32, #tpu.memory_space<vmem>>, %arg11: memref<84x120xi32, #tpu.memory_space<vmem>>, %arg12: memref<2x120x128xbf16, #tpu.memory_space<vmem>>, %arg13: memref<10112x128xbf16, #tpu.memory_space<vmem_shared>>, %arg14: memref<2x!tpu.dma_semaphore, #tpu.memory_space<semaphore_mem>>, %arg15: memref<!tpu.dma_semaphore, #tpu.memory_space<semaphore_mem>>, %arg16: memref<!tpu.dma_semaphore, #tpu.memory_space<semaphore_mem>>, %arg17: memref<120x16xf32, #tpu.memory_space<vmem>>, %arg18: memref<10112x16xf32, #tpu.memory_space<vmem_shared>>) attributes {dimension_semantics = [#tpu.dimension_semantics<core_parallel>, #tpu.dimension_semantics<subcore_parallel>], iteration_bounds = array<i64: 2, 16>, scalar_prefetch = 0 : i64, scratch_operands = 9 : i64, tpu.core_type = #tpu.core_type<sc_vector_subcore>, window_params = [{transform_indices = #map}, {transform_indices = #map1}, {transform_indices = #map1}, {transform_indices = #map}, {transform_indices = #map}, {transform_indices = #map}, {transform_indices = #map1}, {transform_indices = #map1}]} {
    %mul3A = arith.constant 16 : i32
    %mul3A_0 = arith.muli %arg0, %mul3A : i32
    %add3A = arith.addi %mul3A_0, %arg1 : i32
    %mul3A_1 = arith.constant 632 : i32
    %mul3A_2 = arith.muli %arg1, %mul3A_1 : i32
    %dma_start3A = arith.constant 0 : i32
    %dma_start3A_3 = tpu.memref_slice %arg13[%mul3A_2, %dma_start3A] : memref<10112x128xbf16, #tpu.memory_space<vmem_shared>> -> memref<632x128xbf16, #tpu.memory_space<vmem_shared>>
    tpu.enqueue_dma source(%arg5 : memref<632x128xbf16, #tpu.memory_space<hbm>>) target(%dma_start3A_3 : memref<632x128xbf16, #tpu.memory_space<vmem_shared>>) target_semaphore(%arg16 : memref<!tpu.dma_semaphore, #tpu.memory_space<semaphore_mem>>)
    %dma_start3A_4 = arith.constant 0 : i32
    %dma_start3A_5 = arith.constant 0 : i32
    %dma_start3A_6 = arith.constant 0 : i32
    %dma_start3A_7 = tpu.memref_slice %arg3[%add3A, %dma_start3A_5, %dma_start3A_6] : memref<32x84x120xi32, #tpu.memory_space<hbm>> -> memref<1x84x120xi32, #tpu.memory_space<hbm>>
    %dma_start3A_8 = tpu.memref_squeeze %dma_start3A_7 : memref<1x84x120xi32, #tpu.memory_space<hbm>> -> memref<84x120xi32, #tpu.memory_space<hbm>>
    %dma_start3A_9 = tpu.memref_slice %arg14[%dma_start3A_4] : memref<2x!tpu.dma_semaphore, #tpu.memory_space<semaphore_mem>> -> memref<1x!tpu.dma_semaphore, #tpu.memory_space<semaphore_mem>>
    %dma_start3A_10 = tpu.memref_squeeze %dma_start3A_9 : memref<1x!tpu.dma_semaphore, #tpu.memory_space<semaphore_mem>> -> memref<!tpu.dma_semaphore, #tpu.memory_space<semaphore_mem>>
    %dma_start3A_11 = arith.constant 0 : i32
    %dma_start3A_12 = arith.constant 0 : i32
    %dma_start3A_13 = tpu.memref_slice %arg3[%add3A, %dma_start3A_11, %dma_start3A_12] : memref<32x84x120xi32, #tpu.memory_space<hbm>> -> memref<1x84x120xi32, #tpu.memory_space<hbm>>
    %dma_start3A_14 = tpu.memref_squeeze %dma_start3A_13 : memref<1x84x120xi32, #tpu.memory_space<hbm>> -> memref<84x120xi32, #tpu.memory_space<hbm>>
    tpu.enqueue_dma source(%dma_start3A_14 : memref<84x120xi32, #tpu.memory_space<hbm>>) target(%arg10 : memref<84x120xi32, #tpu.memory_space<vmem>>) target_semaphore(%dma_start3A_10 : memref<!tpu.dma_semaphore, #tpu.memory_space<semaphore_mem>>)
    %dma_start3A_15 = arith.constant 0 : i32
    %dma_start3A_16 = arith.constant 0 : i32
    %dma_start3A_17 = tpu.memref_slice %arg4[%add3A, %dma_start3A_15, %dma_start3A_16] : memref<32x84x120xi32, #tpu.memory_space<hbm>> -> memref<1x84x120xi32, #tpu.memory_space<hbm>>
    %dma_start3A_18 = tpu.memref_squeeze %dma_start3A_17 : memref<1x84x120xi32, #tpu.memory_space<hbm>> -> memref<84x120xi32, #tpu.memory_space<hbm>>
    %dma_start3A_19 = arith.constant 0 : i32
    %dma_start3A_20 = arith.constant 0 : i32
    %dma_start3A_21 = tpu.memref_slice %arg4[%add3A, %dma_start3A_19, %dma_start3A_20] : memref<32x84x120xi32, #tpu.memory_space<hbm>> -> memref<1x84x120xi32, #tpu.memory_space<hbm>>
    %dma_start3A_22 = tpu.memref_squeeze %dma_start3A_21 : memref<1x84x120xi32, #tpu.memory_space<hbm>> -> memref<84x120xi32, #tpu.memory_space<hbm>>
    tpu.enqueue_dma source(%dma_start3A_22 : memref<84x120xi32, #tpu.memory_space<hbm>>) target(%arg11 : memref<84x120xi32, #tpu.memory_space<vmem>>) target_semaphore(%arg15 : memref<!tpu.dma_semaphore, #tpu.memory_space<semaphore_mem>>)
    %dma_wait3A = arith.constant 0 : i32
    %dma_wait3A_23 = arith.constant 0 : i32
    %dma_wait3A_24 = arith.constant 0 : i32
    %dma_wait3A_25 = tpu.memref_slice %arg3[%add3A, %dma_wait3A_23, %dma_wait3A_24] : memref<32x84x120xi32, #tpu.memory_space<hbm>> -> memref<1x84x120xi32, #tpu.memory_space<hbm>>
    %dma_wait3A_26 = tpu.memref_squeeze %dma_wait3A_25 : memref<1x84x120xi32, #tpu.memory_space<hbm>> -> memref<84x120xi32, #tpu.memory_space<hbm>>
    %dma_wait3A_27 = tpu.memref_slice %arg14[%dma_wait3A] : memref<2x!tpu.dma_semaphore, #tpu.memory_space<semaphore_mem>> -> memref<1x!tpu.dma_semaphore, #tpu.memory_space<semaphore_mem>>
    %dma_wait3A_28 = tpu.memref_squeeze %dma_wait3A_27 : memref<1x!tpu.dma_semaphore, #tpu.memory_space<semaphore_mem>> -> memref<!tpu.dma_semaphore, #tpu.memory_space<semaphore_mem>>
    %dma_wait3A_29 = arith.constant 0 : i32
    %dma_wait3A_30 = arith.constant 0 : i32
    %dma_wait3A_31 = tpu.memref_slice %arg3[%add3A, %dma_wait3A_29, %dma_wait3A_30] : memref<32x84x120xi32, #tpu.memory_space<hbm>> -> memref<1x84x120xi32, #tpu.memory_space<hbm>>
    %dma_wait3A_32 = tpu.memref_squeeze %dma_wait3A_31 : memref<1x84x120xi32, #tpu.memory_space<hbm>> -> memref<84x120xi32, #tpu.memory_space<hbm>>
    tpu.wait_dma2 semaphore(%dma_wait3A_28 : memref<!tpu.dma_semaphore, #tpu.memory_space<semaphore_mem>>) src(%dma_wait3A_32 : memref<84x120xi32, #tpu.memory_space<hbm>>) dst(%arg10 : memref<84x120xi32, #tpu.memory_space<vmem>>)
    %dma_wait3A_33 = arith.constant 0 : i32
    %dma_wait3A_34 = arith.constant 0 : i32
    %dma_wait3A_35 = tpu.memref_slice %arg4[%add3A, %dma_wait3A_33, %dma_wait3A_34] : memref<32x84x120xi32, #tpu.memory_space<hbm>> -> memref<1x84x120xi32, #tpu.memory_space<hbm>>
    %dma_wait3A_36 = tpu.memref_squeeze %dma_wait3A_35 : memref<1x84x120xi32, #tpu.memory_space<hbm>> -> memref<84x120xi32, #tpu.memory_space<hbm>>
    %dma_wait3A_37 = arith.constant 0 : i32
    %dma_wait3A_38 = arith.constant 0 : i32
    %dma_wait3A_39 = tpu.memref_slice %arg4[%add3A, %dma_wait3A_37, %dma_wait3A_38] : memref<32x84x120xi32, #tpu.memory_space<hbm>> -> memref<1x84x120xi32, #tpu.memory_space<hbm>>
    %dma_wait3A_40 = tpu.memref_squeeze %dma_wait3A_39 : memref<1x84x120xi32, #tpu.memory_space<hbm>> -> memref<84x120xi32, #tpu.memory_space<hbm>>
    tpu.wait_dma2 semaphore(%arg15 : memref<!tpu.dma_semaphore, #tpu.memory_space<semaphore_mem>>) src(%dma_wait3A_40 : memref<84x120xi32, #tpu.memory_space<hbm>>) dst(%arg11 : memref<84x120xi32, #tpu.memory_space<vmem>>)
    %mul3A_41 = arith.constant 632 : i32
    %mul3A_42 = arith.muli %arg1, %mul3A_41 : i32
    %dma_start3A_43 = arith.constant 0 : i32
    %dma_start3A_44 = tpu.memref_slice %arg18[%mul3A_42, %dma_start3A_43] : memref<10112x16xf32, #tpu.memory_space<vmem_shared>> -> memref<632x16xf32, #tpu.memory_space<vmem_shared>>
    tpu.enqueue_dma source(%arg6 : memref<632x16xf32, #tpu.memory_space<hbm>>) target(%dma_start3A_44 : memref<632x16xf32, #tpu.memory_space<vmem_shared>>) target_semaphore(%arg15 : memref<!tpu.dma_semaphore, #tpu.memory_space<semaphore_mem>>)
    %dma_start3A_45 = arith.constant 1 : i32
    %dma_start3A_46 = tpu.memref_slice %arg14[%dma_start3A_45] : memref<2x!tpu.dma_semaphore, #tpu.memory_space<semaphore_mem>> -> memref<1x!tpu.dma_semaphore, #tpu.memory_space<semaphore_mem>>
    %dma_start3A_47 = tpu.memref_squeeze %dma_start3A_46 : memref<1x!tpu.dma_semaphore, #tpu.memory_space<semaphore_mem>> -> memref<!tpu.dma_semaphore, #tpu.memory_space<semaphore_mem>>
    tpu.enqueue_dma source(%arg7 : memref<120x16xf32, #tpu.memory_space<hbm>>) target(%arg17 : memref<120x16xf32, #tpu.memory_space<vmem>>) target_semaphore(%dma_start3A_47 : memref<!tpu.dma_semaphore, #tpu.memory_space<semaphore_mem>>)
    %dma_wait3A_48 = arith.constant 1 : i32
    %dma_wait3A_49 = tpu.memref_slice %arg14[%dma_wait3A_48] : memref<2x!tpu.dma_semaphore, #tpu.memory_space<semaphore_mem>> -> memref<1x!tpu.dma_semaphore, #tpu.memory_space<semaphore_mem>>
    %dma_wait3A_50 = tpu.memref_squeeze %dma_wait3A_49 : memref<1x!tpu.dma_semaphore, #tpu.memory_space<semaphore_mem>> -> memref<!tpu.dma_semaphore, #tpu.memory_space<semaphore_mem>>
    tpu.wait_dma2 semaphore(%dma_wait3A_50 : memref<!tpu.dma_semaphore, #tpu.memory_space<semaphore_mem>>) src(%arg7 : memref<120x16xf32, #tpu.memory_space<hbm>>) dst(%arg17 : memref<120x16xf32, #tpu.memory_space<vmem>>)
    %mul3A_51 = arith.constant 632 : i32
    %mul3A_52 = arith.muli %arg1, %mul3A_51 : i32
    %dma_wait3A_53 = arith.constant 0 : i32
    %dma_wait3A_54 = tpu.memref_slice %arg18[%mul3A_52, %dma_wait3A_53] : memref<10112x16xf32, #tpu.memory_space<vmem_shared>> -> memref<632x16xf32, #tpu.memory_space<vmem_shared>>
    tpu.wait_dma2 semaphore(%arg15 : memref<!tpu.dma_semaphore, #tpu.memory_space<semaphore_mem>>) src(%arg6 : memref<632x16xf32, #tpu.memory_space<hbm>>) dst(%dma_wait3A_54 : memref<632x16xf32, #tpu.memory_space<vmem_shared>>)
    %mul3A_55 = arith.constant 632 : i32
    %mul3A_56 = arith.muli %arg1, %mul3A_55 : i32
    %dma_wait3A_57 = arith.constant 0 : i32
    %dma_wait3A_58 = tpu.memref_slice %arg13[%mul3A_56, %dma_wait3A_57] : memref<10112x128xbf16, #tpu.memory_space<vmem_shared>> -> memref<632x128xbf16, #tpu.memory_space<vmem_shared>>
    tpu.wait_dma2 semaphore(%arg16 : memref<!tpu.dma_semaphore, #tpu.memory_space<semaphore_mem>>) src(%arg5 : memref<632x128xbf16, #tpu.memory_space<hbm>>) dst(%dma_wait3A_58 : memref<632x128xbf16, #tpu.memory_space<vmem_shared>>)
    %barrier3A = arith.constant 0 : index
    tpu.barrier barrier_id(%barrier3A)
    %scan3A = arith.constant 0 : i32
    %scan3A_59 = arith.constant 85 : i32
    %scan3A_60 = arith.addi %scan3A, %scan3A_59 : i32
    %scan3A_61 = arith.constant 1 : i32
    scf.for %scan3A_72 = %scan3A to %scan3A_60 step %scan3A_61  : i32 {
      %mul3A_73 = arith.constant 1 : i32
      %mul3A_74 = arith.muli %scan3A_72, %mul3A_73 : i32
      %add3A_75 = arith.constant 0 : i32
      %add3A_76 = arith.addi %add3A_75, %mul3A_74 : i32
      %lt3A = arith.constant 84 : i32
      %lt3A_77 = arith.cmpi slt, %add3A_76, %lt3A : i32
      %convert_element_type3A = arith.extui %lt3A_77 : i1 to i32
      %cond3A = arith.constant 0 : i32
      %cond3A_78 = arith.cmpi ne, %convert_element_type3A, %cond3A : i32
      scf.if %cond3A_78 {
        %rem3A = arith.constant 2 : i32
        %rem3A_83 = arith.remsi %add3A_76, %rem3A : i32
        %dma_start3A_84 = arith.constant 0 : i32
        %dma_start3A_85 = arith.constant 0 : i32
        %dma_start3A_86 = tpu.memref_slice %arg12[%rem3A_83, %dma_start3A_84, %dma_start3A_85] : memref<2x120x128xbf16, #tpu.memory_space<vmem>> -> memref<1x120x128xbf16, #tpu.memory_space<vmem>>
        %dma_start3A_87 = tpu.memref_squeeze %dma_start3A_86 : memref<1x120x128xbf16, #tpu.memory_space<vmem>> -> memref<120x128xbf16, #tpu.memory_space<vmem>>
        %dma_start3A_88 = arith.constant 0 : i32
        %dma_start3A_89 = tpu.memref_slice %arg10[%add3A_76, %dma_start3A_88] : memref<84x120xi32, #tpu.memory_space<vmem>> -> memref<1x120xi32, #tpu.memory_space<vmem>>
        %dma_start3A_90 = tpu.memref_squeeze %dma_start3A_89 : memref<1x120xi32, #tpu.memory_space<vmem>> -> memref<120xi32, #tpu.memory_space<vmem>>
        %dma_start3A_91 = arith.constant 0 : i32
        %dma_start3A_92 = arith.constant 0 : i32
        %dma_start3A_93 = tpu.memref_slice %arg2[%dma_start3A_91, %dma_start3A_92] : memref<10000x128xbf16, #tpu.memory_space<hbm>> -> memref<10000x128xbf16, #tpu.memory_space<hbm>>
        %dma_start3A_94 = tpu.memref_slice %arg14[%rem3A_83] : memref<2x!tpu.dma_semaphore, #tpu.memory_space<semaphore_mem>> -> memref<1x!tpu.dma_semaphore, #tpu.memory_space<semaphore_mem>>
        %dma_start3A_95 = tpu.memref_squeeze %dma_start3A_94 : memref<1x!tpu.dma_semaphore, #tpu.memory_space<semaphore_mem>> -> memref<!tpu.dma_semaphore, #tpu.memory_space<semaphore_mem>>
        tpu.enqueue_indirect_dma source(%dma_start3A_93 : memref<10000x128xbf16, #tpu.memory_space<hbm>>) target(%dma_start3A_87 : memref<120x128xbf16, #tpu.memory_space<vmem>>) offsets(%dma_start3A_90 : memref<120xi32, #tpu.memory_space<vmem>>) semaphore(%dma_start3A_95 : memref<!tpu.dma_semaphore, #tpu.memory_space<semaphore_mem>>)
      } else {
      }
      %ge3A = arith.constant 1 : i32
      %ge3A_79 = arith.cmpi sge, %add3A_76, %ge3A : i32
      %convert_element_type3A_80 = arith.extui %ge3A_79 : i1 to i32
      %cond3A_81 = arith.constant 0 : i32
      %cond3A_82 = arith.cmpi ne, %convert_element_type3A_80, %cond3A_81 : i32
      scf.if %cond3A_82 {
        %sub3A = arith.constant 1 : i32
        %sub3A_83 = arith.subi %add3A_76, %sub3A : i32
        %rem3A = arith.constant 2 : i32
        %rem3A_84 = arith.remsi %sub3A_83, %rem3A : i32
        %sub3A_85 = arith.constant 1 : i32
        %sub3A_86 = arith.subi %add3A_76, %sub3A_85 : i32
        %dma_wait3A_87 = arith.constant 0 : i32
        %dma_wait3A_88 = arith.constant 0 : i32
        %dma_wait3A_89 = tpu.memref_slice %arg12[%rem3A_84, %dma_wait3A_87, %dma_wait3A_88] : memref<2x120x128xbf16, #tpu.memory_space<vmem>> -> memref<1x120x128xbf16, #tpu.memory_space<vmem>>
        %dma_wait3A_90 = tpu.memref_squeeze %dma_wait3A_89 : memref<1x120x128xbf16, #tpu.memory_space<vmem>> -> memref<120x128xbf16, #tpu.memory_space<vmem>>
        %dma_wait3A_91 = arith.constant 0 : i32
        %dma_wait3A_92 = tpu.memref_slice %arg10[%sub3A_86, %dma_wait3A_91] : memref<84x120xi32, #tpu.memory_space<vmem>> -> memref<1x120xi32, #tpu.memory_space<vmem>>
        %dma_wait3A_93 = tpu.memref_squeeze %dma_wait3A_92 : memref<1x120xi32, #tpu.memory_space<vmem>> -> memref<120xi32, #tpu.memory_space<vmem>>
        %dma_wait3A_94 = arith.constant 0 : i32
        %dma_wait3A_95 = arith.constant 0 : i32
        %dma_wait3A_96 = tpu.memref_slice %arg2[%dma_wait3A_94, %dma_wait3A_95] : memref<10000x128xbf16, #tpu.memory_space<hbm>> -> memref<10000x128xbf16, #tpu.memory_space<hbm>>
        %dma_wait3A_97 = tpu.memref_slice %arg14[%rem3A_84] : memref<2x!tpu.dma_semaphore, #tpu.memory_space<semaphore_mem>> -> memref<1x!tpu.dma_semaphore, #tpu.memory_space<semaphore_mem>>
        %dma_wait3A_98 = tpu.memref_squeeze %dma_wait3A_97 : memref<1x!tpu.dma_semaphore, #tpu.memory_space<semaphore_mem>> -> memref<!tpu.dma_semaphore, #tpu.memory_space<semaphore_mem>>
        tpu.wait_indirect_dma semaphore(%dma_wait3A_98 : memref<!tpu.dma_semaphore, #tpu.memory_space<semaphore_mem>>) src(%dma_wait3A_96 : memref<10000x128xbf16, #tpu.memory_space<hbm>>) dst(%dma_wait3A_90 : memref<120x128xbf16, #tpu.memory_space<vmem>>)
        %sub3A_99 = arith.constant 1 : i32
        %sub3A_100 = arith.subi %add3A_76, %sub3A_99 : i32
        "tpu.region"() ({
          %run_scoped3A = tpu.sem_alloc : memref<!tpu.dma_semaphore, #tpu.memory_space<semaphore_mem>>
          %dma_start3A_103 = arith.constant 0 : i32
          %dma_start3A_104 = arith.constant 0 : i32
          %dma_start3A_105 = tpu.memref_slice %arg12[%rem3A_84, %dma_start3A_103, %dma_start3A_104] : memref<2x120x128xbf16, #tpu.memory_space<vmem>> -> memref<1x120x128xbf16, #tpu.memory_space<vmem>>
          %dma_start3A_106 = tpu.memref_squeeze %dma_start3A_105 : memref<1x120x128xbf16, #tpu.memory_space<vmem>> -> memref<120x128xbf16, #tpu.memory_space<vmem>>
          %dma_start3A_107 = arith.constant 0 : i32
          %dma_start3A_108 = tpu.memref_slice %arg11[%sub3A_100, %dma_start3A_107] : memref<84x120xi32, #tpu.memory_space<vmem>> -> memref<1x120xi32, #tpu.memory_space<vmem>>
          %dma_start3A_109 = tpu.memref_squeeze %dma_start3A_108 : memref<1x120xi32, #tpu.memory_space<vmem>> -> memref<120xi32, #tpu.memory_space<vmem>>
          %dma_start3A_110 = arith.constant 0 : i32
          %dma_start3A_111 = arith.constant 0 : i32
          %dma_start3A_112 = tpu.memref_slice %arg13[%dma_start3A_110, %dma_start3A_111] : memref<10112x128xbf16, #tpu.memory_space<vmem_shared>> -> memref<10112x128xbf16, #tpu.memory_space<vmem_shared>>
          tpu.enqueue_indirect_dma source(%dma_start3A_106 : memref<120x128xbf16, #tpu.memory_space<vmem>>) target(%dma_start3A_112 : memref<10112x128xbf16, #tpu.memory_space<vmem_shared>>) offsets(%dma_start3A_109 : memref<120xi32, #tpu.memory_space<vmem>>) semaphore(%run_scoped3A : memref<!tpu.dma_semaphore, #tpu.memory_space<semaphore_mem>>) {add = true}
          %dma_wait3A_113 = arith.constant 0 : i32
          %dma_wait3A_114 = arith.constant 0 : i32
          %dma_wait3A_115 = tpu.memref_slice %arg12[%rem3A_84, %dma_wait3A_113, %dma_wait3A_114] : memref<2x120x128xbf16, #tpu.memory_space<vmem>> -> memref<1x120x128xbf16, #tpu.memory_space<vmem>>
          %dma_wait3A_116 = tpu.memref_squeeze %dma_wait3A_115 : memref<1x120x128xbf16, #tpu.memory_space<vmem>> -> memref<120x128xbf16, #tpu.memory_space<vmem>>
          %dma_wait3A_117 = arith.constant 0 : i32
          %dma_wait3A_118 = tpu.memref_slice %arg11[%sub3A_100, %dma_wait3A_117] : memref<84x120xi32, #tpu.memory_space<vmem>> -> memref<1x120xi32, #tpu.memory_space<vmem>>
          %dma_wait3A_119 = tpu.memref_squeeze %dma_wait3A_118 : memref<1x120xi32, #tpu.memory_space<vmem>> -> memref<120xi32, #tpu.memory_space<vmem>>
          %dma_wait3A_120 = arith.constant 0 : i32
          %dma_wait3A_121 = arith.constant 0 : i32
          %dma_wait3A_122 = tpu.memref_slice %arg13[%dma_wait3A_120, %dma_wait3A_121] : memref<10112x128xbf16, #tpu.memory_space<vmem_shared>> -> memref<10112x128xbf16, #tpu.memory_space<vmem_shared>>
          tpu.wait_indirect_dma semaphore(%run_scoped3A : memref<!tpu.dma_semaphore, #tpu.memory_space<semaphore_mem>>) src(%dma_wait3A_116 : memref<120x128xbf16, #tpu.memory_space<vmem>>) dst(%dma_wait3A_122 : memref<10112x128xbf16, #tpu.memory_space<vmem_shared>>)
          tpu.yield
        }) : () -> ()
        %sub3A_101 = arith.constant 1 : i32
        %sub3A_102 = arith.subi %add3A_76, %sub3A_101 : i32
        "tpu.region"() ({
          %run_scoped3A = tpu.sem_alloc : memref<!tpu.dma_semaphore, #tpu.memory_space<semaphore_mem>>
          %dma_start3A_103 = arith.constant 0 : i32
          %dma_start3A_104 = tpu.memref_slice %arg11[%sub3A_102, %dma_start3A_103] : memref<84x120xi32, #tpu.memory_space<vmem>> -> memref<1x120xi32, #tpu.memory_space<vmem>>
          %dma_start3A_105 = tpu.memref_squeeze %dma_start3A_104 : memref<1x120xi32, #tpu.memory_space<vmem>> -> memref<120xi32, #tpu.memory_space<vmem>>
          %dma_start3A_106 = arith.constant 0 : i32
          %dma_start3A_107 = arith.constant 0 : i32
          %dma_start3A_108 = tpu.memref_slice %arg18[%dma_start3A_106, %dma_start3A_107] : memref<10112x16xf32, #tpu.memory_space<vmem_shared>> -> memref<10112x16xf32, #tpu.memory_space<vmem_shared>>
          tpu.enqueue_indirect_dma source(%arg17 : memref<120x16xf32, #tpu.memory_space<vmem>>) target(%dma_start3A_108 : memref<10112x16xf32, #tpu.memory_space<vmem_shared>>) offsets(%dma_start3A_105 : memref<120xi32, #tpu.memory_space<vmem>>) semaphore(%run_scoped3A : memref<!tpu.dma_semaphore, #tpu.memory_space<semaphore_mem>>) {add = true}
          %dma_wait3A_109 = arith.constant 0 : i32
          %dma_wait3A_110 = tpu.memref_slice %arg11[%sub3A_102, %dma_wait3A_109] : memref<84x120xi32, #tpu.memory_space<vmem>> -> memref<1x120xi32, #tpu.memory_space<vmem>>
          %dma_wait3A_111 = tpu.memref_squeeze %dma_wait3A_110 : memref<1x120xi32, #tpu.memory_space<vmem>> -> memref<120xi32, #tpu.memory_space<vmem>>
          %dma_wait3A_112 = arith.constant 0 : i32
          %dma_wait3A_113 = arith.constant 0 : i32
          %dma_wait3A_114 = tpu.memref_slice %arg18[%dma_wait3A_112, %dma_wait3A_113] : memref<10112x16xf32, #tpu.memory_space<vmem_shared>> -> memref<10112x16xf32, #tpu.memory_space<vmem_shared>>
          tpu.wait_indirect_dma semaphore(%run_scoped3A : memref<!tpu.dma_semaphore, #tpu.memory_space<semaphore_mem>>) src(%arg17 : memref<120x16xf32, #tpu.memory_space<vmem>>) dst(%dma_wait3A_114 : memref<10112x16xf32, #tpu.memory_space<vmem_shared>>)
          tpu.yield
        }) : () -> ()
      } else {
      }
    }
    %scan3A_62 = arith.constant 85 : i32
    %barrier3A_63 = arith.constant 0 : index
    tpu.barrier barrier_id(%barrier3A_63)
    %mul3A_64 = arith.constant 632 : i32
    %mul3A_65 = arith.muli %arg1, %mul3A_64 : i32
    %mul3A_66 = arith.constant 632 : i32
    %mul3A_67 = arith.muli %arg1, %mul3A_66 : i32
    "tpu.region"() ({
      %run_scoped3A = tpu.sem_alloc : memref<!tpu.dma_semaphore, #tpu.memory_space<semaphore_mem>>
      %dma_start3A_72 = arith.constant 0 : i32
      %dma_start3A_73 = tpu.memref_slice %arg8[%arg0, %mul3A_67, %dma_start3A_72] : memref<2x10112x128xbf16, #tpu.memory_space<hbm>> -> memref<1x632x128xbf16, #tpu.memory_space<hbm>>
      %dma_start3A_74 = tpu.memref_squeeze %dma_start3A_73 : memref<1x632x128xbf16, #tpu.memory_space<hbm>> -> memref<632x128xbf16, #tpu.memory_space<hbm>>
      %dma_start3A_75 = arith.constant 0 : i32
      %dma_start3A_76 = tpu.memref_slice %arg13[%mul3A_65, %dma_start3A_75] : memref<10112x128xbf16, #tpu.memory_space<vmem_shared>> -> memref<632x128xbf16, #tpu.memory_space<vmem_shared>>
      tpu.enqueue_dma source(%dma_start3A_76 : memref<632x128xbf16, #tpu.memory_space<vmem_shared>>) target(%dma_start3A_74 : memref<632x128xbf16, #tpu.memory_space<hbm>>) target_semaphore(%run_scoped3A : memref<!tpu.dma_semaphore, #tpu.memory_space<semaphore_mem>>)
      %dma_wait3A_77 = arith.constant 0 : i32
      %dma_wait3A_78 = tpu.memref_slice %arg8[%arg0, %mul3A_67, %dma_wait3A_77] : memref<2x10112x128xbf16, #tpu.memory_space<hbm>> -> memref<1x632x128xbf16, #tpu.memory_space<hbm>>
      %dma_wait3A_79 = tpu.memref_squeeze %dma_wait3A_78 : memref<1x632x128xbf16, #tpu.memory_space<hbm>> -> memref<632x128xbf16, #tpu.memory_space<hbm>>
      %dma_wait3A_80 = arith.constant 0 : i32
      %dma_wait3A_81 = tpu.memref_slice %arg13[%mul3A_65, %dma_wait3A_80] : memref<10112x128xbf16, #tpu.memory_space<vmem_shared>> -> memref<632x128xbf16, #tpu.memory_space<vmem_shared>>
      tpu.wait_dma2 semaphore(%run_scoped3A : memref<!tpu.dma_semaphore, #tpu.memory_space<semaphore_mem>>) src(%dma_wait3A_81 : memref<632x128xbf16, #tpu.memory_space<vmem_shared>>) dst(%dma_wait3A_79 : memref<632x128xbf16, #tpu.memory_space<hbm>>)
      tpu.yield
    }) : () -> ()
    %mul3A_68 = arith.constant 632 : i32
    %mul3A_69 = arith.muli %arg1, %mul3A_68 : i32
    %mul3A_70 = arith.constant 632 : i32
    %mul3A_71 = arith.muli %arg1, %mul3A_70 : i32
    "tpu.region"() ({
      %run_scoped3A = tpu.sem_alloc : memref<!tpu.dma_semaphore, #tpu.memory_space<semaphore_mem>>
      %dma_start3A_72 = arith.constant 0 : i32
      %dma_start3A_73 = tpu.memref_slice %arg9[%arg0, %mul3A_71, %dma_start3A_72] : memref<2x10112x16xf32, #tpu.memory_space<hbm>> -> memref<1x632x16xf32, #tpu.memory_space<hbm>>
      %dma_start3A_74 = tpu.memref_squeeze %dma_start3A_73 : memref<1x632x16xf32, #tpu.memory_space<hbm>> -> memref<632x16xf32, #tpu.memory_space<hbm>>
      %dma_start3A_75 = arith.constant 0 : i32
      %dma_start3A_76 = tpu.memref_slice %arg18[%mul3A_69, %dma_start3A_75] : memref<10112x16xf32, #tpu.memory_space<vmem_shared>> -> memref<632x16xf32, #tpu.memory_space<vmem_shared>>
      tpu.enqueue_dma source(%dma_start3A_76 : memref<632x16xf32, #tpu.memory_space<vmem_shared>>) target(%dma_start3A_74 : memref<632x16xf32, #tpu.memory_space<hbm>>) target_semaphore(%run_scoped3A : memref<!tpu.dma_semaphore, #tpu.memory_space<semaphore_mem>>)
      %dma_wait3A_77 = arith.constant 0 : i32
      %dma_wait3A_78 = tpu.memref_slice %arg9[%arg0, %mul3A_71, %dma_wait3A_77] : memref<2x10112x16xf32, #tpu.memory_space<hbm>> -> memref<1x632x16xf32, #tpu.memory_space<hbm>>
      %dma_wait3A_79 = tpu.memref_squeeze %dma_wait3A_78 : memref<1x632x16xf32, #tpu.memory_space<hbm>> -> memref<632x16xf32, #tpu.memory_space<hbm>>
      %dma_wait3A_80 = arith.constant 0 : i32
      %dma_wait3A_81 = tpu.memref_slice %arg18[%mul3A_69, %dma_wait3A_80] : memref<10112x16xf32, #tpu.memory_space<vmem_shared>> -> memref<632x16xf32, #tpu.memory_space<vmem_shared>>
      tpu.wait_dma2 semaphore(%run_scoped3A : memref<!tpu.dma_semaphore, #tpu.memory_space<semaphore_mem>>) src(%dma_wait3A_81 : memref<632x16xf32, #tpu.memory_space<vmem_shared>>) dst(%dma_wait3A_79 : memref<632x16xf32, #tpu.memory_space<hbm>>)
      tpu.yield
    }) : () -> ()
    return
  }
}

#map = affine_map<(d0, d1) -> (0, 0)>
#map1 = affine_map<(d0, d1) -> (0, 0, 0)>
module attributes {stable_mosaic.version = 14 : i64} {
  func.func @agg(%arg0: i32, %arg1: i32, %arg2: memref<10000x128xbf16, #tpu.memory_space<hbm>>, %arg3: memref<32x84x120xi32, #tpu.memory_space<hbm>>, %arg4: memref<32x84x120xi32, #tpu.memory_space<hbm>>, %arg5: memref<632x128xbf16, #tpu.memory_space<hbm>>, %arg6: memref<632x16xf32, #tpu.memory_space<hbm>>, %arg7: memref<120x16xf32, #tpu.memory_space<hbm>>, %arg8: memref<2x10112x128xbf16, #tpu.memory_space<hbm>>, %arg9: memref<84x120xi32, #tpu.memory_space<vmem>>, %arg10: memref<84x120xi32, #tpu.memory_space<vmem>>, %arg11: memref<2x120x128xbf16, #tpu.memory_space<vmem>>, %arg12: memref<10112x128xbf16, #tpu.memory_space<vmem_shared>>, %arg13: memref<2x!tpu.dma_semaphore, #tpu.memory_space<semaphore_mem>>, %arg14: memref<!tpu.dma_semaphore, #tpu.memory_space<semaphore_mem>>, %arg15: memref<!tpu.dma_semaphore, #tpu.memory_space<semaphore_mem>>) attributes {dimension_semantics = [#tpu.dimension_semantics<core_parallel>, #tpu.dimension_semantics<subcore_parallel>], iteration_bounds = array<i64: 2, 16>, scalar_prefetch = 0 : i64, scratch_operands = 7 : i64, tpu.core_type = #tpu.core_type<sc_vector_subcore>, window_params = [{transform_indices = #map}, {transform_indices = #map1}, {transform_indices = #map1}, {transform_indices = #map}, {transform_indices = #map}, {transform_indices = #map}, {transform_indices = #map1}]} {
    %mul3A = arith.constant 16 : i32
    %mul3A_0 = arith.muli %arg0, %mul3A : i32
    %add3A = arith.addi %mul3A_0, %arg1 : i32
    %mul3A_1 = arith.constant 632 : i32
    %mul3A_2 = arith.muli %arg1, %mul3A_1 : i32
    %dma_start3A = arith.constant 0 : i32
    %dma_start3A_3 = tpu.memref_slice %arg12[%mul3A_2, %dma_start3A] : memref<10112x128xbf16, #tpu.memory_space<vmem_shared>> -> memref<632x128xbf16, #tpu.memory_space<vmem_shared>>
    tpu.enqueue_dma source(%arg5 : memref<632x128xbf16, #tpu.memory_space<hbm>>) target(%dma_start3A_3 : memref<632x128xbf16, #tpu.memory_space<vmem_shared>>) target_semaphore(%arg15 : memref<!tpu.dma_semaphore, #tpu.memory_space<semaphore_mem>>)
    %dma_start3A_4 = arith.constant 0 : i32
    %dma_start3A_5 = arith.constant 0 : i32
    %dma_start3A_6 = arith.constant 0 : i32
    %dma_start3A_7 = tpu.memref_slice %arg3[%add3A, %dma_start3A_5, %dma_start3A_6] : memref<32x84x120xi32, #tpu.memory_space<hbm>> -> memref<1x84x120xi32, #tpu.memory_space<hbm>>
    %dma_start3A_8 = tpu.memref_squeeze %dma_start3A_7 : memref<1x84x120xi32, #tpu.memory_space<hbm>> -> memref<84x120xi32, #tpu.memory_space<hbm>>
    %dma_start3A_9 = tpu.memref_slice %arg13[%dma_start3A_4] : memref<2x!tpu.dma_semaphore, #tpu.memory_space<semaphore_mem>> -> memref<1x!tpu.dma_semaphore, #tpu.memory_space<semaphore_mem>>
    %dma_start3A_10 = tpu.memref_squeeze %dma_start3A_9 : memref<1x!tpu.dma_semaphore, #tpu.memory_space<semaphore_mem>> -> memref<!tpu.dma_semaphore, #tpu.memory_space<semaphore_mem>>
    %dma_start3A_11 = arith.constant 0 : i32
    %dma_start3A_12 = arith.constant 0 : i32
    %dma_start3A_13 = tpu.memref_slice %arg3[%add3A, %dma_start3A_11, %dma_start3A_12] : memref<32x84x120xi32, #tpu.memory_space<hbm>> -> memref<1x84x120xi32, #tpu.memory_space<hbm>>
    %dma_start3A_14 = tpu.memref_squeeze %dma_start3A_13 : memref<1x84x120xi32, #tpu.memory_space<hbm>> -> memref<84x120xi32, #tpu.memory_space<hbm>>
    tpu.enqueue_dma source(%dma_start3A_14 : memref<84x120xi32, #tpu.memory_space<hbm>>) target(%arg9 : memref<84x120xi32, #tpu.memory_space<vmem>>) target_semaphore(%dma_start3A_10 : memref<!tpu.dma_semaphore, #tpu.memory_space<semaphore_mem>>)
    %dma_start3A_15 = arith.constant 0 : i32
    %dma_start3A_16 = arith.constant 0 : i32
    %dma_start3A_17 = tpu.memref_slice %arg4[%add3A, %dma_start3A_15, %dma_start3A_16] : memref<32x84x120xi32, #tpu.memory_space<hbm>> -> memref<1x84x120xi32, #tpu.memory_space<hbm>>
    %dma_start3A_18 = tpu.memref_squeeze %dma_start3A_17 : memref<1x84x120xi32, #tpu.memory_space<hbm>> -> memref<84x120xi32, #tpu.memory_space<hbm>>
    %dma_start3A_19 = arith.constant 0 : i32
    %dma_start3A_20 = arith.constant 0 : i32
    %dma_start3A_21 = tpu.memref_slice %arg4[%add3A, %dma_start3A_19, %dma_start3A_20] : memref<32x84x120xi32, #tpu.memory_space<hbm>> -> memref<1x84x120xi32, #tpu.memory_space<hbm>>
    %dma_start3A_22 = tpu.memref_squeeze %dma_start3A_21 : memref<1x84x120xi32, #tpu.memory_space<hbm>> -> memref<84x120xi32, #tpu.memory_space<hbm>>
    tpu.enqueue_dma source(%dma_start3A_22 : memref<84x120xi32, #tpu.memory_space<hbm>>) target(%arg10 : memref<84x120xi32, #tpu.memory_space<vmem>>) target_semaphore(%arg14 : memref<!tpu.dma_semaphore, #tpu.memory_space<semaphore_mem>>)
    %dma_wait3A = arith.constant 0 : i32
    %dma_wait3A_23 = arith.constant 0 : i32
    %dma_wait3A_24 = arith.constant 0 : i32
    %dma_wait3A_25 = tpu.memref_slice %arg3[%add3A, %dma_wait3A_23, %dma_wait3A_24] : memref<32x84x120xi32, #tpu.memory_space<hbm>> -> memref<1x84x120xi32, #tpu.memory_space<hbm>>
    %dma_wait3A_26 = tpu.memref_squeeze %dma_wait3A_25 : memref<1x84x120xi32, #tpu.memory_space<hbm>> -> memref<84x120xi32, #tpu.memory_space<hbm>>
    %dma_wait3A_27 = tpu.memref_slice %arg13[%dma_wait3A] : memref<2x!tpu.dma_semaphore, #tpu.memory_space<semaphore_mem>> -> memref<1x!tpu.dma_semaphore, #tpu.memory_space<semaphore_mem>>
    %dma_wait3A_28 = tpu.memref_squeeze %dma_wait3A_27 : memref<1x!tpu.dma_semaphore, #tpu.memory_space<semaphore_mem>> -> memref<!tpu.dma_semaphore, #tpu.memory_space<semaphore_mem>>
    %dma_wait3A_29 = arith.constant 0 : i32
    %dma_wait3A_30 = arith.constant 0 : i32
    %dma_wait3A_31 = tpu.memref_slice %arg3[%add3A, %dma_wait3A_29, %dma_wait3A_30] : memref<32x84x120xi32, #tpu.memory_space<hbm>> -> memref<1x84x120xi32, #tpu.memory_space<hbm>>
    %dma_wait3A_32 = tpu.memref_squeeze %dma_wait3A_31 : memref<1x84x120xi32, #tpu.memory_space<hbm>> -> memref<84x120xi32, #tpu.memory_space<hbm>>
    tpu.wait_dma2 semaphore(%dma_wait3A_28 : memref<!tpu.dma_semaphore, #tpu.memory_space<semaphore_mem>>) src(%dma_wait3A_32 : memref<84x120xi32, #tpu.memory_space<hbm>>) dst(%arg9 : memref<84x120xi32, #tpu.memory_space<vmem>>)
    %dma_wait3A_33 = arith.constant 0 : i32
    %dma_wait3A_34 = arith.constant 0 : i32
    %dma_wait3A_35 = tpu.memref_slice %arg4[%add3A, %dma_wait3A_33, %dma_wait3A_34] : memref<32x84x120xi32, #tpu.memory_space<hbm>> -> memref<1x84x120xi32, #tpu.memory_space<hbm>>
    %dma_wait3A_36 = tpu.memref_squeeze %dma_wait3A_35 : memref<1x84x120xi32, #tpu.memory_space<hbm>> -> memref<84x120xi32, #tpu.memory_space<hbm>>
    %dma_wait3A_37 = arith.constant 0 : i32
    %dma_wait3A_38 = arith.constant 0 : i32
    %dma_wait3A_39 = tpu.memref_slice %arg4[%add3A, %dma_wait3A_37, %dma_wait3A_38] : memref<32x84x120xi32, #tpu.memory_space<hbm>> -> memref<1x84x120xi32, #tpu.memory_space<hbm>>
    %dma_wait3A_40 = tpu.memref_squeeze %dma_wait3A_39 : memref<1x84x120xi32, #tpu.memory_space<hbm>> -> memref<84x120xi32, #tpu.memory_space<hbm>>
    tpu.wait_dma2 semaphore(%arg14 : memref<!tpu.dma_semaphore, #tpu.memory_space<semaphore_mem>>) src(%dma_wait3A_40 : memref<84x120xi32, #tpu.memory_space<hbm>>) dst(%arg10 : memref<84x120xi32, #tpu.memory_space<vmem>>)
    %mul3A_41 = arith.constant 632 : i32
    %mul3A_42 = arith.muli %arg1, %mul3A_41 : i32
    %dma_wait3A_43 = arith.constant 0 : i32
    %dma_wait3A_44 = tpu.memref_slice %arg12[%mul3A_42, %dma_wait3A_43] : memref<10112x128xbf16, #tpu.memory_space<vmem_shared>> -> memref<632x128xbf16, #tpu.memory_space<vmem_shared>>
    tpu.wait_dma2 semaphore(%arg15 : memref<!tpu.dma_semaphore, #tpu.memory_space<semaphore_mem>>) src(%arg5 : memref<632x128xbf16, #tpu.memory_space<hbm>>) dst(%dma_wait3A_44 : memref<632x128xbf16, #tpu.memory_space<vmem_shared>>)
    %barrier3A = arith.constant 0 : index
    tpu.barrier barrier_id(%barrier3A)
    %scan3A = arith.constant 0 : i32
    %scan3A_45 = arith.constant 85 : i32
    %scan3A_46 = arith.addi %scan3A, %scan3A_45 : i32
    %scan3A_47 = arith.constant 1 : i32
    scf.for %scan3A_54 = %scan3A to %scan3A_46 step %scan3A_47  : i32 {
      %mul3A_55 = arith.constant 1 : i32
      %mul3A_56 = arith.muli %scan3A_54, %mul3A_55 : i32
      %add3A_57 = arith.constant 0 : i32
      %add3A_58 = arith.addi %add3A_57, %mul3A_56 : i32
      %lt3A = arith.constant 84 : i32
      %lt3A_59 = arith.cmpi slt, %add3A_58, %lt3A : i32
      %convert_element_type3A = arith.extui %lt3A_59 : i1 to i32
      %cond3A = arith.constant 0 : i32
      %cond3A_60 = arith.cmpi ne, %convert_element_type3A, %cond3A : i32
      scf.if %cond3A_60 {
        %rem3A = arith.constant 2 : i32
        %rem3A_65 = arith.remsi %add3A_58, %rem3A : i32
        %dma_start3A_66 = arith.constant 0 : i32
        %dma_start3A_67 = arith.constant 0 : i32
        %dma_start3A_68 = tpu.memref_slice %arg11[%rem3A_65, %dma_start3A_66, %dma_start3A_67] : memref<2x120x128xbf16, #tpu.memory_space<vmem>> -> memref<1x120x128xbf16, #tpu.memory_space<vmem>>
        %dma_start3A_69 = tpu.memref_squeeze %dma_start3A_68 : memref<1x120x128xbf16, #tpu.memory_space<vmem>> -> memref<120x128xbf16, #tpu.memory_space<vmem>>
        %dma_start3A_70 = arith.constant 0 : i32
        %dma_start3A_71 = tpu.memref_slice %arg9[%add3A_58, %dma_start3A_70] : memref<84x120xi32, #tpu.memory_space<vmem>> -> memref<1x120xi32, #tpu.memory_space<vmem>>
        %dma_start3A_72 = tpu.memref_squeeze %dma_start3A_71 : memref<1x120xi32, #tpu.memory_space<vmem>> -> memref<120xi32, #tpu.memory_space<vmem>>
        %dma_start3A_73 = arith.constant 0 : i32
        %dma_start3A_74 = arith.constant 0 : i32
        %dma_start3A_75 = tpu.memref_slice %arg2[%dma_start3A_73, %dma_start3A_74] : memref<10000x128xbf16, #tpu.memory_space<hbm>> -> memref<10000x128xbf16, #tpu.memory_space<hbm>>
        %dma_start3A_76 = tpu.memref_slice %arg13[%rem3A_65] : memref<2x!tpu.dma_semaphore, #tpu.memory_space<semaphore_mem>> -> memref<1x!tpu.dma_semaphore, #tpu.memory_space<semaphore_mem>>
        %dma_start3A_77 = tpu.memref_squeeze %dma_start3A_76 : memref<1x!tpu.dma_semaphore, #tpu.memory_space<semaphore_mem>> -> memref<!tpu.dma_semaphore, #tpu.memory_space<semaphore_mem>>
        tpu.enqueue_indirect_dma source(%dma_start3A_75 : memref<10000x128xbf16, #tpu.memory_space<hbm>>) target(%dma_start3A_69 : memref<120x128xbf16, #tpu.memory_space<vmem>>) offsets(%dma_start3A_72 : memref<120xi32, #tpu.memory_space<vmem>>) semaphore(%dma_start3A_77 : memref<!tpu.dma_semaphore, #tpu.memory_space<semaphore_mem>>)
      } else {
      }
      %ge3A = arith.constant 1 : i32
      %ge3A_61 = arith.cmpi sge, %add3A_58, %ge3A : i32
      %convert_element_type3A_62 = arith.extui %ge3A_61 : i1 to i32
      %cond3A_63 = arith.constant 0 : i32
      %cond3A_64 = arith.cmpi ne, %convert_element_type3A_62, %cond3A_63 : i32
      scf.if %cond3A_64 {
        %sub3A = arith.constant 1 : i32
        %sub3A_65 = arith.subi %add3A_58, %sub3A : i32
        %rem3A = arith.constant 2 : i32
        %rem3A_66 = arith.remsi %sub3A_65, %rem3A : i32
        %sub3A_67 = arith.constant 1 : i32
        %sub3A_68 = arith.subi %add3A_58, %sub3A_67 : i32
        %dma_wait3A_69 = arith.constant 0 : i32
        %dma_wait3A_70 = arith.constant 0 : i32
        %dma_wait3A_71 = tpu.memref_slice %arg11[%rem3A_66, %dma_wait3A_69, %dma_wait3A_70] : memref<2x120x128xbf16, #tpu.memory_space<vmem>> -> memref<1x120x128xbf16, #tpu.memory_space<vmem>>
        %dma_wait3A_72 = tpu.memref_squeeze %dma_wait3A_71 : memref<1x120x128xbf16, #tpu.memory_space<vmem>> -> memref<120x128xbf16, #tpu.memory_space<vmem>>
        %dma_wait3A_73 = arith.constant 0 : i32
        %dma_wait3A_74 = tpu.memref_slice %arg9[%sub3A_68, %dma_wait3A_73] : memref<84x120xi32, #tpu.memory_space<vmem>> -> memref<1x120xi32, #tpu.memory_space<vmem>>
        %dma_wait3A_75 = tpu.memref_squeeze %dma_wait3A_74 : memref<1x120xi32, #tpu.memory_space<vmem>> -> memref<120xi32, #tpu.memory_space<vmem>>
        %dma_wait3A_76 = arith.constant 0 : i32
        %dma_wait3A_77 = arith.constant 0 : i32
        %dma_wait3A_78 = tpu.memref_slice %arg2[%dma_wait3A_76, %dma_wait3A_77] : memref<10000x128xbf16, #tpu.memory_space<hbm>> -> memref<10000x128xbf16, #tpu.memory_space<hbm>>
        %dma_wait3A_79 = tpu.memref_slice %arg13[%rem3A_66] : memref<2x!tpu.dma_semaphore, #tpu.memory_space<semaphore_mem>> -> memref<1x!tpu.dma_semaphore, #tpu.memory_space<semaphore_mem>>
        %dma_wait3A_80 = tpu.memref_squeeze %dma_wait3A_79 : memref<1x!tpu.dma_semaphore, #tpu.memory_space<semaphore_mem>> -> memref<!tpu.dma_semaphore, #tpu.memory_space<semaphore_mem>>
        tpu.wait_indirect_dma semaphore(%dma_wait3A_80 : memref<!tpu.dma_semaphore, #tpu.memory_space<semaphore_mem>>) src(%dma_wait3A_78 : memref<10000x128xbf16, #tpu.memory_space<hbm>>) dst(%dma_wait3A_72 : memref<120x128xbf16, #tpu.memory_space<vmem>>)
        %sub3A_81 = arith.constant 1 : i32
        %sub3A_82 = arith.subi %add3A_58, %sub3A_81 : i32
        "tpu.region"() ({
          %run_scoped3A = tpu.sem_alloc : memref<!tpu.dma_semaphore, #tpu.memory_space<semaphore_mem>>
          %dma_start3A_83 = arith.constant 0 : i32
          %dma_start3A_84 = arith.constant 0 : i32
          %dma_start3A_85 = tpu.memref_slice %arg11[%rem3A_66, %dma_start3A_83, %dma_start3A_84] : memref<2x120x128xbf16, #tpu.memory_space<vmem>> -> memref<1x120x128xbf16, #tpu.memory_space<vmem>>
          %dma_start3A_86 = tpu.memref_squeeze %dma_start3A_85 : memref<1x120x128xbf16, #tpu.memory_space<vmem>> -> memref<120x128xbf16, #tpu.memory_space<vmem>>
          %dma_start3A_87 = arith.constant 0 : i32
          %dma_start3A_88 = tpu.memref_slice %arg10[%sub3A_82, %dma_start3A_87] : memref<84x120xi32, #tpu.memory_space<vmem>> -> memref<1x120xi32, #tpu.memory_space<vmem>>
          %dma_start3A_89 = tpu.memref_squeeze %dma_start3A_88 : memref<1x120xi32, #tpu.memory_space<vmem>> -> memref<120xi32, #tpu.memory_space<vmem>>
          %dma_start3A_90 = arith.constant 0 : i32
          %dma_start3A_91 = arith.constant 0 : i32
          %dma_start3A_92 = tpu.memref_slice %arg12[%dma_start3A_90, %dma_start3A_91] : memref<10112x128xbf16, #tpu.memory_space<vmem_shared>> -> memref<10112x128xbf16, #tpu.memory_space<vmem_shared>>
          tpu.enqueue_indirect_dma source(%dma_start3A_86 : memref<120x128xbf16, #tpu.memory_space<vmem>>) target(%dma_start3A_92 : memref<10112x128xbf16, #tpu.memory_space<vmem_shared>>) offsets(%dma_start3A_89 : memref<120xi32, #tpu.memory_space<vmem>>) semaphore(%run_scoped3A : memref<!tpu.dma_semaphore, #tpu.memory_space<semaphore_mem>>) {add = true}
          %dma_wait3A_93 = arith.constant 0 : i32
          %dma_wait3A_94 = arith.constant 0 : i32
          %dma_wait3A_95 = tpu.memref_slice %arg11[%rem3A_66, %dma_wait3A_93, %dma_wait3A_94] : memref<2x120x128xbf16, #tpu.memory_space<vmem>> -> memref<1x120x128xbf16, #tpu.memory_space<vmem>>
          %dma_wait3A_96 = tpu.memref_squeeze %dma_wait3A_95 : memref<1x120x128xbf16, #tpu.memory_space<vmem>> -> memref<120x128xbf16, #tpu.memory_space<vmem>>
          %dma_wait3A_97 = arith.constant 0 : i32
          %dma_wait3A_98 = tpu.memref_slice %arg10[%sub3A_82, %dma_wait3A_97] : memref<84x120xi32, #tpu.memory_space<vmem>> -> memref<1x120xi32, #tpu.memory_space<vmem>>
          %dma_wait3A_99 = tpu.memref_squeeze %dma_wait3A_98 : memref<1x120xi32, #tpu.memory_space<vmem>> -> memref<120xi32, #tpu.memory_space<vmem>>
          %dma_wait3A_100 = arith.constant 0 : i32
          %dma_wait3A_101 = arith.constant 0 : i32
          %dma_wait3A_102 = tpu.memref_slice %arg12[%dma_wait3A_100, %dma_wait3A_101] : memref<10112x128xbf16, #tpu.memory_space<vmem_shared>> -> memref<10112x128xbf16, #tpu.memory_space<vmem_shared>>
          tpu.wait_indirect_dma semaphore(%run_scoped3A : memref<!tpu.dma_semaphore, #tpu.memory_space<semaphore_mem>>) src(%dma_wait3A_96 : memref<120x128xbf16, #tpu.memory_space<vmem>>) dst(%dma_wait3A_102 : memref<10112x128xbf16, #tpu.memory_space<vmem_shared>>)
          tpu.yield
        }) : () -> ()
      } else {
      }
    }
    %scan3A_48 = arith.constant 85 : i32
    %barrier3A_49 = arith.constant 0 : index
    tpu.barrier barrier_id(%barrier3A_49)
    %mul3A_50 = arith.constant 632 : i32
    %mul3A_51 = arith.muli %arg1, %mul3A_50 : i32
    %mul3A_52 = arith.constant 632 : i32
    %mul3A_53 = arith.muli %arg1, %mul3A_52 : i32
    "tpu.region"() ({
      %run_scoped3A = tpu.sem_alloc : memref<!tpu.dma_semaphore, #tpu.memory_space<semaphore_mem>>
      %dma_start3A_54 = arith.constant 0 : i32
      %dma_start3A_55 = tpu.memref_slice %arg8[%arg0, %mul3A_53, %dma_start3A_54] : memref<2x10112x128xbf16, #tpu.memory_space<hbm>> -> memref<1x632x128xbf16, #tpu.memory_space<hbm>>
      %dma_start3A_56 = tpu.memref_squeeze %dma_start3A_55 : memref<1x632x128xbf16, #tpu.memory_space<hbm>> -> memref<632x128xbf16, #tpu.memory_space<hbm>>
      %dma_start3A_57 = arith.constant 0 : i32
      %dma_start3A_58 = tpu.memref_slice %arg12[%mul3A_51, %dma_start3A_57] : memref<10112x128xbf16, #tpu.memory_space<vmem_shared>> -> memref<632x128xbf16, #tpu.memory_space<vmem_shared>>
      tpu.enqueue_dma source(%dma_start3A_58 : memref<632x128xbf16, #tpu.memory_space<vmem_shared>>) target(%dma_start3A_56 : memref<632x128xbf16, #tpu.memory_space<hbm>>) target_semaphore(%run_scoped3A : memref<!tpu.dma_semaphore, #tpu.memory_space<semaphore_mem>>)
      %dma_wait3A_59 = arith.constant 0 : i32
      %dma_wait3A_60 = tpu.memref_slice %arg8[%arg0, %mul3A_53, %dma_wait3A_59] : memref<2x10112x128xbf16, #tpu.memory_space<hbm>> -> memref<1x632x128xbf16, #tpu.memory_space<hbm>>
      %dma_wait3A_61 = tpu.memref_squeeze %dma_wait3A_60 : memref<1x632x128xbf16, #tpu.memory_space<hbm>> -> memref<632x128xbf16, #tpu.memory_space<hbm>>
      %dma_wait3A_62 = arith.constant 0 : i32
      %dma_wait3A_63 = tpu.memref_slice %arg12[%mul3A_51, %dma_wait3A_62] : memref<10112x128xbf16, #tpu.memory_space<vmem_shared>> -> memref<632x128xbf16, #tpu.memory_space<vmem_shared>>
      tpu.wait_dma2 semaphore(%run_scoped3A : memref<!tpu.dma_semaphore, #tpu.memory_space<semaphore_mem>>) src(%dma_wait3A_63 : memref<632x128xbf16, #tpu.memory_space<vmem_shared>>) dst(%dma_wait3A_61 : memref<632x128xbf16, #tpu.memory_space<hbm>>)
      tpu.yield
    }) : () -> ()
    return
  }
}

module attributes {stable_mosaic.version = 14 : i64} {
  func.func @_layer_body(%arg0: i32, %arg1: memref<1000x128xf32, #tpu.memory_space<vmem>>, %arg2: memref<2x1000x128xbf16, #tpu.memory_space<vmem>>, %arg3: memref<2x1000x16xf32, #tpu.memory_space<vmem>>, %arg4: memref<128x128xf32, #tpu.memory_space<vmem>>, %arg5: memref<128x128xf32, #tpu.memory_space<vmem>>, %arg6: memref<1x128xf32, #tpu.memory_space<vmem>>, %arg7: memref<1000x128xf32, #tpu.memory_space<vmem>>, %arg8: memref<1000x128xbf16, #tpu.memory_space<vmem>>) attributes {dimension_semantics = [#tpu.dimension_semantics<arbitrary>], iteration_bounds = array<i64: 10>, scalar_prefetch = 0 : i64, scratch_operands = 0 : i64, tpu.core_type = #tpu.core_type<tc>, window_params = [{transform_indices = @transform_0, window_bounds = array<i64: 1000, 128>}, {transform_indices = @transform_1, window_bounds = array<i64: 2, 1000, 128>}, {transform_indices = @transform_2, window_bounds = array<i64: 2, 1000, 16>}, {pipeline_mode = #tpu.pipeline_mode<synchronous>, transform_indices = @transform_3, window_bounds = array<i64: 128, 128>}, {pipeline_mode = #tpu.pipeline_mode<synchronous>, transform_indices = @transform_4, window_bounds = array<i64: 128, 128>}, {pipeline_mode = #tpu.pipeline_mode<synchronous>, transform_indices = @transform_5, window_bounds = array<i64: 1, 128>}, {transform_indices = @transform_6, window_bounds = array<i64: 1000, 128>}, {transform_indices = @transform_7, window_bounds = array<i64: 1000, 128>}]} {
    %get3A = arith.constant 0 : index
    %get3A_0 = arith.constant 0 : index
    %get3A_1 = vector.load %arg1[%get3A, %get3A_0] : memref<1000x128xf32, #tpu.memory_space<vmem>>, vector<1000x128xf32>
    %get3A_2 = arith.constant 0 : index
    %get3A_3 = arith.constant 0 : index
    %get3A_4 = arith.constant 0 : index
    %get3A_5 = vector.load %arg2[%get3A_2, %get3A_3, %get3A_4] : memref<2x1000x128xbf16, #tpu.memory_space<vmem>>, vector<1x1000x128xbf16>
    %get3A_6 = vector.shape_cast %get3A_5 : vector<1x1000x128xbf16> to vector<1000x128xbf16>
    %convert_element_type3A = arith.extf %get3A_6 : vector<1000x128xbf16> to vector<1000x128xf32>
    %get3A_7 = arith.constant 1 : index
    %get3A_8 = arith.constant 0 : index
    %get3A_9 = arith.constant 0 : index
    %get3A_10 = vector.load %arg2[%get3A_7, %get3A_8, %get3A_9] : memref<2x1000x128xbf16, #tpu.memory_space<vmem>>, vector<1x1000x128xbf16>
    %get3A_11 = vector.shape_cast %get3A_10 : vector<1x1000x128xbf16> to vector<1000x128xbf16>
    %convert_element_type3A_12 = arith.extf %get3A_11 : vector<1000x128xbf16> to vector<1000x128xf32>
    %add3A = arith.addf %convert_element_type3A, %convert_element_type3A_12 : vector<1000x128xf32>
    %get3A_13 = arith.constant 0 : index
    %get3A_14 = arith.constant 0 : index
    %get3A_15 = arith.constant 0 : index
    %get3A_16 = vector.load %arg3[%get3A_13, %get3A_14, %get3A_15] : memref<2x1000x16xf32, #tpu.memory_space<vmem>>, vector<1x1000x1xf32>
    %get3A_17 = vector.shape_cast %get3A_16 : vector<1x1000x1xf32> to vector<1000x1xf32>
    %get3A_18 = arith.constant 1 : index
    %get3A_19 = arith.constant 0 : index
    %get3A_20 = arith.constant 0 : index
    %get3A_21 = vector.load %arg3[%get3A_18, %get3A_19, %get3A_20] : memref<2x1000x16xf32, #tpu.memory_space<vmem>>, vector<1x1000x1xf32>
    %get3A_22 = vector.shape_cast %get3A_21 : vector<1x1000x1xf32> to vector<1000x1xf32>
    %add3A_23 = arith.addf %get3A_17, %get3A_22 : vector<1000x1xf32>
    %max3A = arith.constant 1.000000e+00 : f32
    %max3A_24 = vector.broadcast %max3A : f32 to vector<1000x1xf32>
    %max3A_25 = arith.maximumf %add3A_23, %max3A_24 : vector<1000x1xf32>
    %div3A = vector.broadcast %max3A_25 : vector<1000x1xf32> to vector<1000x128xf32>
    %div3A_26 = arith.divf %add3A, %div3A : vector<1000x128xf32>
    %get3A_27 = arith.constant 0 : index
    %get3A_28 = arith.constant 0 : index
    %get3A_29 = vector.load %arg4[%get3A_27, %get3A_28] : memref<128x128xf32, #tpu.memory_space<vmem>>, vector<128x128xf32>
    %dot_general3A = arith.constant dense<0.000000e+00> : vector<1000x128xf32>
    %dot_general3A_30 = tpu.matmul %get3A_1, %get3A_29, %dot_general3A {dimension_numbers = #tpu.dot_dimension_numbers<[1], [1], [0], [0], [0, 0, 1, 0], [], []>, transpose_lhs_hint = false} : vector<1000x128xf32>, vector<128x128xf32>, vector<1000x128xf32> -> vector<1000x128xf32>
    %get3A_31 = arith.constant 0 : index
    %get3A_32 = arith.constant 0 : index
    %get3A_33 = vector.load %arg5[%get3A_31, %get3A_32] : memref<128x128xf32, #tpu.memory_space<vmem>>, vector<128x128xf32>
    %dot_general3A_34 = arith.constant dense<0.000000e+00> : vector<1000x128xf32>
    %dot_general3A_35 = tpu.matmul %div3A_26, %get3A_33, %dot_general3A_34 {dimension_numbers = #tpu.dot_dimension_numbers<[1], [1], [0], [0], [0, 0, 1, 0], [], []>, transpose_lhs_hint = false} : vector<1000x128xf32>, vector<128x128xf32>, vector<1000x128xf32> -> vector<1000x128xf32>
    %add3A_36 = arith.addf %dot_general3A_30, %dot_general3A_35 : vector<1000x128xf32>
    %get3A_37 = arith.constant 0 : index
    %get3A_38 = arith.constant 0 : index
    %get3A_39 = vector.load %arg6[%get3A_37, %get3A_38] : memref<1x128xf32, #tpu.memory_space<vmem>>, vector<1x128xf32>
    %add3A_40 = vector.broadcast %get3A_39 : vector<1x128xf32> to vector<1000x128xf32>
    %add3A_41 = arith.addf %add3A_36, %add3A_40 : vector<1000x128xf32>
    %max3A_42 = arith.constant 0.000000e+00 : f32
    %max3A_43 = vector.broadcast %max3A_42 : f32 to vector<1000x128xf32>
    %max3A_44 = arith.maximumf %add3A_41, %max3A_43 : vector<1000x128xf32>
    %swap3A = arith.constant 0 : index
    %swap3A_45 = arith.constant 0 : index
    %swap3A_46 = vector.load %arg7[%swap3A, %swap3A_45] : memref<1000x128xf32, #tpu.memory_space<vmem>>, vector<1000x128xf32>
    tpu.vector_store %arg7[%swap3A, %swap3A_45], %max3A_44 {strides = array<i32>} : memref<1000x128xf32, #tpu.memory_space<vmem>>, vector<1000x128xf32>,
    %convert_element_type3A_47 = arith.truncf %max3A_44 : vector<1000x128xf32> to vector<1000x128xbf16>
    %swap3A_48 = arith.constant 0 : index
    %swap3A_49 = arith.constant 0 : index
    %swap3A_50 = vector.load %arg8[%swap3A_48, %swap3A_49] : memref<1000x128xbf16, #tpu.memory_space<vmem>>, vector<1000x128xbf16>
    tpu.vector_store %arg8[%swap3A_48, %swap3A_49], %convert_element_type3A_47 {strides = array<i32>} : memref<1000x128xbf16, #tpu.memory_space<vmem>>, vector<1000x128xbf16>,
    return
  }
  func.func @transform_0(%arg0: i32) -> (i32, i32) {
    %c0_i32 = arith.constant 0 : i32
    %c0_i32_0 = arith.constant 0 : i32
    return %arg0, %c0_i32 : i32, i32
  }
  func.func @transform_1(%arg0: i32) -> (i32, i32, i32) {
    %c0_i32 = arith.constant 0 : i32
    %c0_i32_0 = arith.constant 0 : i32
    %c0_i32_1 = arith.constant 0 : i32
    return %c0_i32, %arg0, %c0_i32_0 : i32, i32, i32
  }
  func.func @transform_2(%arg0: i32) -> (i32, i32, i32) {
    %c0_i32 = arith.constant 0 : i32
    %c0_i32_0 = arith.constant 0 : i32
    %c0_i32_1 = arith.constant 0 : i32
    return %c0_i32, %arg0, %c0_i32_0 : i32, i32, i32
  }
  func.func @transform_3(%arg0: i32) -> (i32, i32) {
    %c0_i32 = arith.constant 0 : i32
    %c0_i32_0 = arith.constant 0 : i32
    %c0_i32_1 = arith.constant 0 : i32
    return %c0_i32, %c0_i32_0 : i32, i32
  }
  func.func @transform_4(%arg0: i32) -> (i32, i32) {
    %c0_i32 = arith.constant 0 : i32
    %c0_i32_0 = arith.constant 0 : i32
    %c0_i32_1 = arith.constant 0 : i32
    return %c0_i32, %c0_i32_0 : i32, i32
  }
  func.func @transform_5(%arg0: i32) -> (i32, i32) {
    %c0_i32 = arith.constant 0 : i32
    %c0_i32_0 = arith.constant 0 : i32
    %c0_i32_1 = arith.constant 0 : i32
    return %c0_i32, %c0_i32_0 : i32, i32
  }
  func.func @transform_6(%arg0: i32) -> (i32, i32) {
    %c0_i32 = arith.constant 0 : i32
    %c0_i32_0 = arith.constant 0 : i32
    return %arg0, %c0_i32 : i32, i32
  }
  func.func @transform_7(%arg0: i32) -> (i32, i32) {
    %c0_i32 = arith.constant 0 : i32
    %c0_i32_0 = arith.constant 0 : i32
    return %arg0, %c0_i32 : i32, i32
  }
}

module attributes {stable_mosaic.version = 14 : i64} {
  func.func @_layer_body(%arg0: i32, %arg1: memref<1000x128xf32, #tpu.memory_space<vmem>>, %arg2: memref<2x1000x128xbf16, #tpu.memory_space<vmem>>, %arg3: memref<2x1000x16xf32, #tpu.memory_space<vmem>>, %arg4: memref<128x128xf32, #tpu.memory_space<vmem>>, %arg5: memref<128x128xf32, #tpu.memory_space<vmem>>, %arg6: memref<1x128xf32, #tpu.memory_space<vmem>>, %arg7: memref<1000x128xf32, #tpu.memory_space<vmem>>) attributes {dimension_semantics = [#tpu.dimension_semantics<arbitrary>], iteration_bounds = array<i64: 10>, scalar_prefetch = 0 : i64, scratch_operands = 0 : i64, tpu.core_type = #tpu.core_type<tc>, window_params = [{transform_indices = @transform_0, window_bounds = array<i64: 1000, 128>}, {transform_indices = @transform_1, window_bounds = array<i64: 2, 1000, 128>}, {transform_indices = @transform_2, window_bounds = array<i64: 2, 1000, 16>}, {pipeline_mode = #tpu.pipeline_mode<synchronous>, transform_indices = @transform_3, window_bounds = array<i64: 128, 128>}, {pipeline_mode = #tpu.pipeline_mode<synchronous>, transform_indices = @transform_4, window_bounds = array<i64: 128, 128>}, {pipeline_mode = #tpu.pipeline_mode<synchronous>, transform_indices = @transform_5, window_bounds = array<i64: 1, 128>}, {transform_indices = @transform_6, window_bounds = array<i64: 1000, 128>}]} {
    %get3A = arith.constant 0 : index
    %get3A_0 = arith.constant 0 : index
    %get3A_1 = vector.load %arg1[%get3A, %get3A_0] : memref<1000x128xf32, #tpu.memory_space<vmem>>, vector<1000x128xf32>
    %get3A_2 = arith.constant 0 : index
    %get3A_3 = arith.constant 0 : index
    %get3A_4 = arith.constant 0 : index
    %get3A_5 = vector.load %arg2[%get3A_2, %get3A_3, %get3A_4] : memref<2x1000x128xbf16, #tpu.memory_space<vmem>>, vector<1x1000x128xbf16>
    %get3A_6 = vector.shape_cast %get3A_5 : vector<1x1000x128xbf16> to vector<1000x128xbf16>
    %convert_element_type3A = arith.extf %get3A_6 : vector<1000x128xbf16> to vector<1000x128xf32>
    %get3A_7 = arith.constant 1 : index
    %get3A_8 = arith.constant 0 : index
    %get3A_9 = arith.constant 0 : index
    %get3A_10 = vector.load %arg2[%get3A_7, %get3A_8, %get3A_9] : memref<2x1000x128xbf16, #tpu.memory_space<vmem>>, vector<1x1000x128xbf16>
    %get3A_11 = vector.shape_cast %get3A_10 : vector<1x1000x128xbf16> to vector<1000x128xbf16>
    %convert_element_type3A_12 = arith.extf %get3A_11 : vector<1000x128xbf16> to vector<1000x128xf32>
    %add3A = arith.addf %convert_element_type3A, %convert_element_type3A_12 : vector<1000x128xf32>
    %get3A_13 = arith.constant 0 : index
    %get3A_14 = arith.constant 0 : index
    %get3A_15 = arith.constant 0 : index
    %get3A_16 = vector.load %arg3[%get3A_13, %get3A_14, %get3A_15] : memref<2x1000x16xf32, #tpu.memory_space<vmem>>, vector<1x1000x1xf32>
    %get3A_17 = vector.shape_cast %get3A_16 : vector<1x1000x1xf32> to vector<1000x1xf32>
    %get3A_18 = arith.constant 1 : index
    %get3A_19 = arith.constant 0 : index
    %get3A_20 = arith.constant 0 : index
    %get3A_21 = vector.load %arg3[%get3A_18, %get3A_19, %get3A_20] : memref<2x1000x16xf32, #tpu.memory_space<vmem>>, vector<1x1000x1xf32>
    %get3A_22 = vector.shape_cast %get3A_21 : vector<1x1000x1xf32> to vector<1000x1xf32>
    %add3A_23 = arith.addf %get3A_17, %get3A_22 : vector<1000x1xf32>
    %max3A = arith.constant 1.000000e+00 : f32
    %max3A_24 = vector.broadcast %max3A : f32 to vector<1000x1xf32>
    %max3A_25 = arith.maximumf %add3A_23, %max3A_24 : vector<1000x1xf32>
    %div3A = vector.broadcast %max3A_25 : vector<1000x1xf32> to vector<1000x128xf32>
    %div3A_26 = arith.divf %add3A, %div3A : vector<1000x128xf32>
    %get3A_27 = arith.constant 0 : index
    %get3A_28 = arith.constant 0 : index
    %get3A_29 = vector.load %arg4[%get3A_27, %get3A_28] : memref<128x128xf32, #tpu.memory_space<vmem>>, vector<128x128xf32>
    %dot_general3A = arith.constant dense<0.000000e+00> : vector<1000x128xf32>
    %dot_general3A_30 = tpu.matmul %get3A_1, %get3A_29, %dot_general3A {dimension_numbers = #tpu.dot_dimension_numbers<[1], [1], [0], [0], [0, 0, 1, 0], [], []>, transpose_lhs_hint = false} : vector<1000x128xf32>, vector<128x128xf32>, vector<1000x128xf32> -> vector<1000x128xf32>
    %get3A_31 = arith.constant 0 : index
    %get3A_32 = arith.constant 0 : index
    %get3A_33 = vector.load %arg5[%get3A_31, %get3A_32] : memref<128x128xf32, #tpu.memory_space<vmem>>, vector<128x128xf32>
    %dot_general3A_34 = arith.constant dense<0.000000e+00> : vector<1000x128xf32>
    %dot_general3A_35 = tpu.matmul %div3A_26, %get3A_33, %dot_general3A_34 {dimension_numbers = #tpu.dot_dimension_numbers<[1], [1], [0], [0], [0, 0, 1, 0], [], []>, transpose_lhs_hint = false} : vector<1000x128xf32>, vector<128x128xf32>, vector<1000x128xf32> -> vector<1000x128xf32>
    %add3A_36 = arith.addf %dot_general3A_30, %dot_general3A_35 : vector<1000x128xf32>
    %get3A_37 = arith.constant 0 : index
    %get3A_38 = arith.constant 0 : index
    %get3A_39 = vector.load %arg6[%get3A_37, %get3A_38] : memref<1x128xf32, #tpu.memory_space<vmem>>, vector<1x128xf32>
    %add3A_40 = vector.broadcast %get3A_39 : vector<1x128xf32> to vector<1000x128xf32>
    %add3A_41 = arith.addf %add3A_36, %add3A_40 : vector<1000x128xf32>
    %swap3A = arith.constant 0 : index
    %swap3A_42 = arith.constant 0 : index
    %swap3A_43 = vector.load %arg7[%swap3A, %swap3A_42] : memref<1000x128xf32, #tpu.memory_space<vmem>>, vector<1000x128xf32>
    tpu.vector_store %arg7[%swap3A, %swap3A_42], %add3A_41 {strides = array<i32>} : memref<1000x128xf32, #tpu.memory_space<vmem>>, vector<1000x128xf32>,
    return
  }
  func.func @transform_0(%arg0: i32) -> (i32, i32) {
    %c0_i32 = arith.constant 0 : i32
    %c0_i32_0 = arith.constant 0 : i32
    return %arg0, %c0_i32 : i32, i32
  }
  func.func @transform_1(%arg0: i32) -> (i32, i32, i32) {
    %c0_i32 = arith.constant 0 : i32
    %c0_i32_0 = arith.constant 0 : i32
    %c0_i32_1 = arith.constant 0 : i32
    return %c0_i32, %arg0, %c0_i32_0 : i32, i32, i32
  }
  func.func @transform_2(%arg0: i32) -> (i32, i32, i32) {
    %c0_i32 = arith.constant 0 : i32
    %c0_i32_0 = arith.constant 0 : i32
    %c0_i32_1 = arith.constant 0 : i32
    return %c0_i32, %arg0, %c0_i32_0 : i32, i32, i32
  }
  func.func @transform_3(%arg0: i32) -> (i32, i32) {
    %c0_i32 = arith.constant 0 : i32
    %c0_i32_0 = arith.constant 0 : i32
    %c0_i32_1 = arith.constant 0 : i32
    return %c0_i32, %c0_i32_0 : i32, i32
  }
  func.func @transform_4(%arg0: i32) -> (i32, i32) {
    %c0_i32 = arith.constant 0 : i32
    %c0_i32_0 = arith.constant 0 : i32
    %c0_i32_1 = arith.constant 0 : i32
    return %c0_i32, %c0_i32_0 : i32, i32
  }
  func.func @transform_5(%arg0: i32) -> (i32, i32) {
    %c0_i32 = arith.constant 0 : i32
    %c0_i32_0 = arith.constant 0 : i32
    %c0_i32_1 = arith.constant 0 : i32
    return %c0_i32, %c0_i32_0 : i32, i32
  }
  func.func @transform_6(%arg0: i32) -> (i32, i32) {
    %c0_i32 = arith.constant 0 : i32
    %c0_i32_0 = arith.constant 0 : i32
    return %arg0, %c0_i32 : i32, i32
  }
}

</mosaic_0001>

<sc_bundles>
// kernel: kernel.6.cloned.1.call-start
scs
__scs_entry_jumppad:
0x0: {  	(pc) =	sbr.rel $0x88, $3  }
0x1: {  	(tag) =	ssettag $0x0;
	lr =	simm.s32 $0x1  }
0x2: {  	[smem:$0x3F99] =	sst lr;
	_ =	strace $0xD0000000  }
0x3: {  	_ = 	snop  }
0x4: {  	_ = 	snop  }
0x5: {  	_ = 	snop  }
0x6: {  	_ = 	snop  }
0x7: {  	_ = 	snop  }
__scs_overlays_trampoline_lowered:
0x8: {  	[smem:$0x3FA8] =	sst s0  }
0x9: {  	[smem:$0x3FA9] =	sst s1  }
0xa: {  	[smem:$0x3FAA] =	sst s2  }
0xb: {  	[smem:$0x3FAB] =	sst s3  }
0xc: {  	[smem:$0x3FAC] =	sst s4  }
0xd: {  	[smem:$0x3FAD] =	sst s5  }
0xe: {  	[smem:$0x3FAE] =	sst s6  }
0xf: {  	[smem:$0x3FAF] =	sst s7  }
0x10: {  	[smem:$0x3FB0] =	sst s8  }
0x11: {  	[smem:$0x3FB1] =	sst s9;
	s0 =	simm.s32 @!p0 $0x0  }
0x12: {  	s1 =	sld [smem:$0x3F97];
	s0 =	simm.s32 @p0 $0x1  }
0x13: {  	[smem:$0x3FB2] =	sst s0;
	s0 =	simm.s32 @!p1 $0x0  }
0x14: {  	s2 =	sld [smem:$0x3F96];
	s0 =	simm.s32 @p1 $0x1  }
0x15: {  	[smem:$0x3FB3] =	sst s0;
	s0 =	simm.s32 @!p2 $0x0  }
0x16: {  	s3 =	sld [smem:$0x3FDB];
	s0 =	simm.s32 @p2 $0x1  }
0x17: {  	s4 =	simm.s32 $0x1BF5;
	[smem:$0x3FB5] =	sst s0  }
0x18: {  	s0 =	sld [smem:$0x3F98];
	_ =	swait.ge [sflag:s4], $0x0  }
0x19: {  	s7 =	sld [smem:$0x3F99]  }
0x1a: {  	s8 =	sadd.s32 $0xFFFFE003, lr  }
0x1b: {  	s9 =	sadd.s32 $0xFFFFFEF7, lr;
	s5 =	simm.s32 $0xFFFFFFFF;
	p2 =	slt.u32 s8, $0xFFFFF086  }
0x1c: {  	p1 =	slt.u32 s9, $0xF7A;
	s5 =	simm.s32 @!p2 $0x0  }
0x1d: {  	s5 =	simm.s32 @p1 $0x1;
	p0 =	seq.s32 s7, s2  }
0x1e: {  	s7 =	smul.u32 @!p0 $0xF7A, s2;
	p2 =	seq.s32 @!p0 s5, $0x0  }
0x1f: {  	s9 =	smul.u32 $0xF7A, s1;
	s8 =	simm.s32 @!p0 $0x1BF5;
	p2 =	por !p2, p0  }
0x20: {  	[sflag:s8] =	ssyncset.s32 @!p0 $0xFFFFF086;
	s6 =	sadd.s32 @!p0 s3, s7;
	s7 =	simm.s32 @!p0 $0x108  }
0x21: {  	s3 =	sadd.s32 s3, s9;
	s6 =	sadd.s32 @!p0 $0x88, s6;
	s7 =	simm.s32 @p2 $0x1082  }
0x22: {  	[simem:s7], [sflag:s8] =	dma.local @!p0 [hbm:s6], $0xF7A  }
0x23: {  	s9 =	sor.u32 $0xD0000000, s2;
	s6 =	simm.s32 $0x108;
	_ =	swait.ge @!p0 [sflag:s8], $0x0  }
0x24: {  	s3 =	sadd.s32 $0x88, s3;
	s6 =	simm.s32 @!p1 $0x1082;
	[sflag:s4] =	ssyncset.s32 $0xFFFFF086  }
0x25: {  	[simem:s6], [sflag:s4] =	dma.local [hbm:s3], $0xF7A  }
0x26: {  	[smem:$0x3F99] =	sst s1;
	(tag) =	ssettag s2;
	_ =	strace s9  }
0x27: {  	s1 =	sld [smem:$0x3FA9]  }
0x28: {  	s2 =	sld [smem:$0x3FAA]  }
0x29: {  	s4 =	sld [smem:$0x3FAC]  }
0x2a: {  	p0 =	seq.s32 s5, $0x0;
	s5 =	sld [smem:$0x3FAD]  }
0x2b: {  	s6 =	sld [smem:$0x3FAE]  }
0x2c: {  	s7 =	sld [smem:$0x3FAF]  }
0x2d: {  	s3 =	simm.s32 $0x108;
	s8 =	sld [smem:$0x3FB0]  }
0x2e: {  	s3 =	simm.s32 @!p0 $0x1082;
	s9 =	sld [smem:$0x3FB1]  }
0x2f: {  	lr =	sadd.s32 s0, s3;
	s0 =	sld [smem:$0x3FA8]  }
0x30: {  	s3 =	sld [smem:$0x3FAB]  }
0x31: {  	[smem:$0x3FB4] =	sst s10  }
0x32: {  	s10 =	sld [smem:$0x3FB2];
	_ =	sdelay $0x3  }
0x33: {  	p0 =	seq.s32 s10, $0x1;
	s10 =	sld [smem:$0x3FB4];
	_ =	sdelay $0x3  }
0x34: {  	[smem:$0x3FB4] =	sst s10  }
0x35: {  	s10 =	sld [smem:$0x3FB3];
	_ =	sdelay $0x3  }
0x36: {  	p1 =	seq.s32 s10, $0x1;
	s10 =	sld [smem:$0x3FB4];
	_ =	sdelay $0x3  }
0x37: {  	[smem:$0x3FB4] =	sst s10  }
0x38: {  	s10 =	sld [smem:$0x3FB5]  }
0x39: {  	_ = 	snop;
	(pc) =	sbr.ind lr, $3  }
0x3a: {  	_ = 	snop  }
0x3b: {  	_ = 	snop  }
0x3c: {  	p2 =	seq.s32 s10, $0x1;
	s10 =	sld [smem:$0x3FB4]  }
0x3d: {  	_ =	shalt  }
0x3e: {  	_ =	shalt  }
0x3f: {  	_ =	shalt  }
0x40: {  	_ =	shalt  }
0x41: {  	_ =	shalt  }
0x42: {  	_ =	shalt  }
0x43: {  	_ =	shalt  }
0x44: {  	_ =	shalt  }
0x45: {  	_ =	shalt  }
0x46: {  	_ =	shalt  }
0x47: {  	_ =	shalt  }
0x48: {  	_ =	shalt  }
0x49: {  	_ =	shalt  }
0x4a: {  	_ =	shalt  }
0x4b: {  	_ =	shalt  }
0x4c: {  	_ =	shalt  }
0x4d: {  	_ =	shalt  }
0x4e: {  	_ =	shalt  }
0x4f: {  	_ =	shalt  }
0x50: {  	_ =	shalt  }
0x51: {  	_ =	shalt  }
0x52: {  	_ =	shalt  }
0x53: {  	_ =	shalt  }
0x54: {  	_ =	shalt  }
0x55: {  	_ =	shalt  }
0x56: {  	_ =	shalt  }
0x57: {  	_ =	shalt  }
0x58: {  	_ =	shalt  }
0x59: {  	_ =	shalt  }
0x5a: {  	_ =	shalt  }
0x5b: {  	_ =	shalt  }
0x5c: {  	_ =	shalt  }
0x5d: {  	_ =	shalt  }
0x5e: {  	_ =	shalt  }
0x5f: {  	_ =	shalt  }
0x60: {  	_ =	shalt  }
0x61: {  	_ =	shalt  }
0x62: {  	_ =	shalt  }
0x63: {  	_ =	shalt  }
0x64: {  	_ =	shalt  }
0x65: {  	_ =	shalt  }
0x66: {  	_ =	shalt  }
0x67: {  	_ =	shalt  }
0x68: {  	_ =	shalt  }
0x69: {  	_ =	shalt  }
0x6a: {  	_ =	shalt  }
0x6b: {  	_ =	shalt  }
0x6c: {  	_ =	shalt  }
0x6d: {  	_ =	shalt  }
0x6e: {  	_ =	shalt  }
0x6f: {  	_ =	shalt  }
0x70: {  	_ =	shalt  }
0x71: {  	_ =	shalt  }
0x72: {  	_ =	shalt  }
0x73: {  	_ =	shalt  }
0x74: {  	_ =	shalt  }
0x75: {  	_ =	shalt  }
0x76: {  	_ =	shalt  }
0x77: {  	_ =	shalt  }
0x78: {  	_ =	shalt  }
0x79: {  	_ =	shalt  }
0x7a: {  	_ =	shalt  }
0x7b: {  	_ =	shalt  }
0x7c: {  	_ =	shalt  }
0x7d: {  	_ =	shalt  }
0x7e: {  	_ =	shalt  }
0x7f: {  	_ =	shalt  }
0x80: {  	_ =	shalt  }
0x81: {  	_ =	shalt  }
0x82: {  	_ =	shalt  }
0x83: {  	_ =	shalt  }
0x84: {  	_ =	shalt  }
0x85: {  	_ =	shalt  }
0x86: {  	_ =	shalt  }
0x87: {  	_ =	shalt  }
.Lfunc_end0:
.L_simem_size_0:
called_computation_lowered:
.L_overlay_start_0:
0x88: {  	s2 =	sld [smem:$0x3FD9]  }
0x89: {  	s3 =	sld [smem:$0x3FFE];
	_ =	sdelay $0x1  }
0x8a: {  	s1 =	srdreg.scid  }
0x8b: {  	s0 =	sand.u32 $0x1, s1  }
0x8c: {  	s17 =	sshll.u32 s0, $0xA;
	s2 =	sadd.s32 s3, s2  }
0x8d: {  	s2 =	sadd.s32 s2, s17  }
0x8e: {  	[smem:$0x3FC0] =	sst s2  }
0x8f: {  	_ = 	snop  }
0x90: {  	s2 =	sld [smem:$0x3FD0];
	(tm) =	ssettm $0x1  }
0x91: {  	s18 =	sld [smem:$0x3FFB];
	_ =	sdelay $0x3  }
0x92: {  	_ =	strace s18  }
0x93: {  	s3 =	sld [smem:$0x3FFC];
	_ =	sdelay $0x3  }
0x94: {  	_ =	strace s3  }
0x95: {  	s3 =	sld [smem:$0x3FFD];
	_ =	sdelay $0x3  }
0x96: {  	_ =	strace s3  }
0x97: {  	_ =	strace $0x8FFFFFFF  }
0x98: {  	s19 =	sld [smem:$0x3FDB];
	_ =	sdelay $0x1  }
0x99: {  	s4 =	simm.s32 $_scs_section_size  }
0x9a: {  	s5 =	simm.s32 $_size__tile_overlayer_lowered;
	s6 =	simm.s32 $_tile_overlayer_lowered  }
0x9b: {  	s22 =	simm.s32 $0x1BFF;
	s21 =	sshll.u32 s6, $0x1;
	s3 =	sadd.s32 s4, s19  }
0x9c: {  	s7 =	simm.s32 $0x0;
	s20 =	sshll.u32 s5, $0x1;
	s5 =	sadd.s32 s21, s3  }
0x9d: {  	[timem:s7], [sflag:s22] =	dma.local [hbm:s5], s20  }
0x9e: {  	_ =	swait.ge [sflag:s22], s20  }
0x9f: {  	s4 =	ssub.s32 $0x0, s20;
	[sflag:s22] =	ssyncset.done $0x0  }
0xa0: {  	[sflag:s22] =	ssyncadd.s32 s4;
	_ =	sdelay $0x1  }
0xa1: {  	s23 =	simm.s32 $0x1B8B  }
0xa2: {  	_ =	swait.ge [sflag:s23], $0x1  }
0xa3: {  	[sflag:s23] =	ssyncset.done $0x0  }
0xa4: {  	s25 =	simm.s32 $0x1B8E;
	s24 =	sld [smem:$0x3FFE];
	[sflag:s23] =	ssyncadd.s32 $0xFFFFFFFF  }
0xa5: {  	s26 =	simm.s32 $execute0_lowered;
	[smem:$0x3FD2] =	sst s25  }
0xa6: {  	s5 =	sshll.u32 s26, $0x1;
	_ =	strace $0x80000046;
	[dreg:$0x1] =	wrdreg $0xFFFFFFFF  }
0xa7: {  	s28 =	simm.s32 $_size_execute0_lowered;
	s3 =	sadd.s32 s3, s5;
	[dreg:$0x0] =	wrdreg $0x0  }
0xa8: {  	s5 =	sshll.u32 s28, $0x1;
	[dreg:$0x2] =	wrdreg s3  }
0xa9: {  	[dreg:$0x3] =	wrdreg s5  }
0xaa: {  	[dreg:$0x4] =	wrdreg $0xC0  }
0xab: {  	_ =	task [dreg:s7], $0x5FFFF  }
0xac: {  	[dreg:$0x1] =	wrdreg $0xFFFFFFFF  }
0xad: {  	[dreg:$0x0] =	wrdreg $0x60  }
0xae: {  	[dreg:$0x2] =	wrdreg s2  }
0xaf: {  	[dreg:$0x3] =	wrdreg s24  }
0xb0: {  	[dreg:$0x4] =	wrdreg $0x8AC00  }
0xb1: {  	[dreg:$0x5] =	wrdreg $0x130400  }
0xb2: {  	[dreg:$0x6] =	wrdreg $0x9  }
0xb3: {  	_ =	task.clear_ibuf [dreg:s7], $0x7FFFF;
	_ =	strace $0x90000046  }
0xb4: {  	s29 =	simm.s32 $0x9;
	_ =	strace $0x80000048  }
0xb5: {  	_ =	swait.ge [sflag:s29], $0x1  }
0xb6: {  	[sflag:s29] =	ssyncadd.s32 $0xFFFFFFFF  }
0xb7: {  	_ =	strace $0x90000048  }
0xb8: {  	_ =	sfence  }
0xb9: {  	s30 =	sld [smem:$0x0];
	_ =	sdelay $0x2  }
0xba: {  	s31 =	sshll.u32 s1, $0xD;
	s1 =	sshrl.u32 s1, $0x2  }
0xbb: {  	s3 =	sand.u32 $0x4000, s31;
	s1 =	sadd.s32 s1, s30  }
0xbc: {  	s0 =	sor.u32 s3, s0;
	s1 =	sshll.u32 s1, $0x11  }
0xbd: {  	s0 =	sor.u32 s1, s0  }
0xbe: {  	s0 =	sadd.s32 $0x8F2B, s0  }
0xbf: {  	[sflag:s0] =	ssyncadd.remote.s32 $0x1  }
0xc0: {  	_ =	sfence.sel $0xFFFF  }
0xc1: {  	[dreg:$0x0] =	wrdreg $0xFFFFFFFF;
	(pc) =	sbr.abs _section_cstart, $3  }
0xc2: {  	[dreg:$0x1] =	wrdreg $0xFFFFFFFF  }
0xc3: {  	_ =	task.clear_ibuf [dreg:s7], $0x2FFFF;
	_ =	strace $0x9FFFFFFF  }
0xc4: {  	(tm) =	ssettm $0x7FFFFFFF  }
0xc5: {  	_ =	shalt  }
tec
execute0_lowered:
.L_overlay_start_1:
0x0: {  	(tag) =	ssettag $0x1  }
0x1: {  	s1 =	rddreg [dreg:$0x0]  }
0x2: {  	s9 =	rddreg [dreg:$0x1]  }
0x3: {  	s0 =	srdreg.scid;
	s3 =	rddreg [dreg:$0x2]  }
0x4: {  	s6 =	stileid.u32;
	s4 =	rddreg [dreg:$0x3]  }
0x5: {  	s5 =	simm.s32 $0x0;
	s17 =	simm.s32 $0x3;
	s20 =	simm.s32 $0x128C0  }
0x6: {  	s21 =	simm.s32 $0x2;
	s22 =	simm.s32 $0x4;
	s24 =	simm.s32 $0x78  }
0x7: {  	s25 =	simm.s32 $0x6;
	s28 =	simm.s32 $0x0;
	s10 =	smul.u32 $0x13C00, s6  }
0x8: {  	s0 =	sand.u32 $0x1, s0;
	s13 =	smul.u32 $0x2780, s6;
	[smem:$0x7FF] =	sst s5  }
0x9: {  	s7 =	sadd.s32 $0x2A00, s9;
	s26 =	sadd.s32 $0x17C00, s9;
	s29 =	sadd.s32 $0x17A00, s9  }
0xa: {  	s8 =	smul.u32 $0x13C000, s0;
	_ =	strace $0x80000047;
	[dreg:$0x5] =	wrdreg s7  }
0xb: {  	s2 =	sshll.u32 s0, $0x4;
	s11 =	smul.u32 $0x27800, s0;
	[dreg:$0x6] =	wrdreg s26  }
0xc: {  	[dreg:$0x7] =	wrdreg s29;
	s0 =	ssub.s32 $0x2, s0;
	s26 =	simm.s32 $0x5  }
0xd: {  	s2 =	sor.u32 s6, s2;
	s30 =	sshrl.u32 s0, $0x1;
	s31 =	sadd.s32 s13, s4  }
0xe: {  	s2 =	smul.u32 $0x4EC, s2;
	s12 =	sadd.s32 s10, s8;
	s11 =	sadd.s32 s13, s11  }
0xf: {  	s10 =	sshrl.u32 s10, $0x1;
	s0 =	ssub.s32 s0, s30;
	s12 =	sshrl.u32 s12, $0x4  }
0x10: {  	s11 =	sshrl.u32 s11, $0x3;
	s16 =	sadd.s32 s10, s3;
	s2 =	sadd.s32 s2, s9  }
0x11: {  	s14 =	sadd.s32 s12, s9;
	s15 =	sadd.s32 s11, s9;
	s9 =	sshll.u32 s6, $0x6  }
0x12: {  	s19 =	sshrl.u32 s31, $0x3;
	s16 =	sshrl.u32 s16, $0x3;
	s10 =	sor.u32 $0x1C04, s9  }
0x13: {  	s11 =	sadd.s32 $0xDC00, s2;
	s12 =	sadd.s32 $0x3E00, s2;
	s13 =	sadd.s32 $0x18200, s14  }
0x14: {  	s14 =	sadd.s32 $0x3FA00, s15;
	s15 =	smax.u32 s0, $0x1;
	s18 =	sor.u32 $0x1C03, s9  }
.LBB2_1:
0x15: {  	s0 =	rddreg [dreg:$0x5]  }
0x16: {  	[spmem:s16], [sflag:s10] =	dma.local [hbm:s0], $0x13C0  }
0x17: {  	[tilespmem:s5], [sflag:$0x1] =	stream.linear.gather [hbm4b:s11+s5], $0x2760, $0x38;
	[tilespmem:$0x157C0] =	vst v63  }
0x18: {  	s7 =	simm.s32 $0x2760;
	s2 =	simm.s32 $0x1  }
0x19: {  	[tilespmem:s7], [sflag:$0x3] =	stream.linear.gather [hbm4b:s12+s5], $0x2760, $0x38;
	[tilespmem:$0x157C0] =	vst v63  }
0x1a: {  	_ =	swait.ge [sflag:s2], $0x2760  }
0x1b: {  	[sflag:s2] =	ssyncset.done $0x0  }
0x1c: {  	[sflag:s2] =	ssyncadd.s32 $0xFFFFD8A0  }
0x1d: {  	_ =	swait.ge [sflag:s17], $0x2760  }
0x1e: {  	[sflag:s17] =	ssyncset.done $0x0  }
0x1f: {  	s6 =	rddreg [dreg:$0x6];
	[sflag:s17] =	ssyncadd.s32 $0xFFFFD8A0  }
0x20: {  	[spmem:s19], [sflag:s18] =	dma.local [hbm:s6], $0x4F0  }
0x21: {  	s6 =	rddreg [dreg:$0x7]  }
0x22: {  	[tilespmem:s20], [sflag:$0x2] =	stream.linear.gather [hbm4b:s6+s5], $0x780, $0x38;
	[tilespmem:$0x157C0] =	vst v63  }
0x23: {  	_ =	swait.ge [sflag:s21], $0x780  }
0x24: {  	[sflag:s21] =	ssyncset.done $0x0  }
0x25: {  	[sflag:s21] =	ssyncadd.s32 $0xFFFFF880  }
0x26: {  	_ =	swait.ge [sflag:s17], $0x4F0  }
0x27: {  	[sflag:s17] =	ssyncset.done $0x0  }
0x28: {  	[sflag:s17] =	ssyncadd.s32 $0xFFFFFB10  }
0x29: {  	s2 =	sand.u32 $0x1, s2;
	_ =	swait.ge [sflag:s22], $0x13C0  }
0x2a: {  	s29 =	simm.s32 $0x0;
	s23 =	smul.u32 $0x7800, s2;
	[sflag:s22] =	ssyncset.done $0x0  }
0x2b: {  	s8 =	simm.s32 $0x4EC0;
	s29 =	sand.u32 $0x1, s29;
	[sflag:s22] =	ssyncadd.s32 $0xFFFFEC40  }
0x2c: {  	s30 =	smul.u32 $0x7800, s29;
	s23 =	sshrl.u32 s23, $0x2;
	[bflag:$0x0] =	sbarrier.arrive $0xFFFF  }
0x2d: {  	[tilespmem:s8], [sflag:$0x1] =	stream.indirect.gather [hbm4b:s1+s24], $0x40, s5, s24, $0xb8;
	[tilespmem:$0x157C0] =	vst v63  }
0x2e: {  	s29 =	sadd.s32 $0x1, s29;
	s2 =	sadd.s32 $0x1, s2;
	s23 =	sadd.s32 $0x4EC0, s23  }
0x2f: {  	[tilespmem:s23], [sflag:s2] =	stream.indirect.gather [hbm4b:s1+s24], $0x40, s24, s24, $0xb8;
	[tilespmem:$0x157C0] =	vst v63  }
0x30: {  	_ =	swait.ge [sflag:s29], $0x1E00  }
0x31: {  	s23 =	sshrl.u32 s30, $0x2;
	[sflag:s29] =	ssyncset.done $0x0  }
0x32: {  	s2 =	sadd.s32 $0x4EC0, s23;
	[sflag:s29] =	ssyncadd.s32 $0xFFFFE200  }
0x33: {  	[spmem:s3] =	stream.indirect.scatter.add.bf16 [tilespmem:s2], [sflag:$0x6], $0x40, s7, s24, $0xb8;
	[tilespmem:$0x157C0] =	vst v63  }
0x34: {  	s31 =	simm.s32 $0x2;
	_ =	swait.ge [sflag:s25], $0x1E00  }
0x35: {  	s2 =	sand.u32 $0x1, s31;
	[sflag:s25] =	ssyncset.done $0x0  }
0x36: {  	s0 =	simm.s32 $0x3;
	s23 =	smul.u32 $0x7800, s2;
	[sflag:s25] =	ssyncadd.s32 $0xFFFFE200  }
0x37: {  	[spmem:s4] =	stream.indirect.scatter.add.f32 [tilespmem:s20], [sflag:$0x5], $0x10, s7, s24, $0xb8;
	[tilespmem:$0x157C0] =	vst v63  }
0x38: {  	s30 =	simm.s32 $0xF0;
	s29 =	simm.s32 $0x27D8;
	_ =	swait.ge [sflag:s26], $0x780  }
.LBB2_2:
0x39: {  	s23 =	sshrl.u32 s23, $0x2  }
0x3a: {  	s6 =	sadd.s32 $0xFFFFFFFF, s31;
	[sflag:s26] =	ssyncset.done $0x0;
	s31 =	smov.u32 s0  }
0x3b: {  	s2 =	sadd.s32 $0x1, s2;
	s23 =	sadd.s32 $0x4EC0, s23;
	s6 =	sand.u32 $0x1, s6  }
0x3c: {  	s7 =	smul.u32 $0x7800, s6;
	s6 =	sadd.s32 $0x1, s6;
	[sflag:s26] =	ssyncadd.s32 $0xFFFFF880  }
0x3d: {  	[tilespmem:s23], [sflag:s2] =	stream.indirect.gather [hbm4b:s1+s24], $0x40, s30, s24, $0xb8;
	[tilespmem:$0x157C0] =	vst v63  }
0x3e: {  	s8 =	sadd.s32 $0x1, s0;
	s2 =	sshrl.u32 s7, $0x2;
	_ =	swait.ge [sflag:s6], $0x1E00  }
0x3f: {  	p0 =	sne.s32 s0, $0x53;
	s0 =	sadd.s32 $0x4EC0, s2;
	[sflag:s6] =	ssyncset.done $0x0  }
0x40: {  	[sflag:s6] =	ssyncadd.s32 $0xFFFFE200  }
0x41: {  	[spmem:s3] =	stream.indirect.scatter.add.bf16 [tilespmem:s0], [sflag:$0x6], $0x40, s29, s24, $0xb8;
	[tilespmem:$0x157C0] =	vst v63  }
.Ltmp0:
0x42: {  	_ =	swait.ge [sflag:s25], $0x1E00;
	(pc) =	sbr.rel @p0 .LBB2_2-.Ltmp0, $4  }
0x43: {  	s2 =	sand.u32 $0x1, s31;
	[sflag:s25] =	ssyncset.done $0x0  }
0x44: {  	s30 =	sadd.s32 $0x78, s30;
	s23 =	smul.u32 $0x7800, s2;
	[sflag:s25] =	ssyncadd.s32 $0xFFFFE200  }
0x45: {  	[spmem:s4] =	stream.indirect.scatter.add.f32 [tilespmem:s20], [sflag:$0x5], $0x10, s29, s24, $0xb8;
	[tilespmem:$0x157C0] =	vst v63  }
0x46: {  	s0 =	smov.u32 s8;
	s29 =	sadd.s32 $0x78, s29;
	_ =	swait.ge [sflag:s26], $0x780  }
0x47: {  	s0 =	sshrl.u32 s23, $0x2;
	s6 =	sadd.s32 $0xFFFFFFFF, s31;
	[sflag:s26] =	ssyncset.done $0x0  }
0x48: {  	s2 =	sadd.s32 $0x1, s2;
	s0 =	sadd.s32 $0x4EC0, s0;
	s6 =	sand.u32 $0x1, s6  }
0x49: {  	[sflag:s26] =	ssyncadd.s32 $0xFFFFF880;
	s7 =	smul.u32 $0x7800, s6;
	s6 =	sadd.s32 $0x1, s6  }
0x4a: {  	[tilespmem:s0], [sflag:s2] =	stream.indirect.gather [hbm4b:s1+s24], $0x40, s30, s24, $0xb8;
	[tilespmem:$0x157C0] =	vst v63  }
0x4b: {  	_ =	swait.ge [sflag:s6], $0x1E00  }
0x4c: {  	s7 =	sshrl.u32 s7, $0x2;
	[sflag:s6] =	ssyncset.done $0x0  }
0x4d: {  	s7 =	sadd.s32 $0x4EC0, s7;
	[sflag:s6] =	ssyncadd.s32 $0xFFFFE200  }
0x4e: {  	[spmem:s3] =	stream.indirect.scatter.add.bf16 [tilespmem:s7], [sflag:$0x6], $0x40, s29, s24, $0xb8;
	[tilespmem:$0x157C0] =	vst v63  }
0x4f: {  	_ =	swait.ge [sflag:s25], $0x1E00  }
0x50: {  	[sflag:s25] =	ssyncset.done $0x0  }
0x51: {  	[sflag:s25] =	ssyncadd.s32 $0xFFFFE200  }
0x52: {  	[spmem:s4] =	stream.indirect.scatter.add.f32 [tilespmem:s20], [sflag:$0x5], $0x10, s29, s24, $0xb8;
	[tilespmem:$0x157C0] =	vst v63  }
0x53: {  	_ =	swait.ge [sflag:s26], $0x780  }
0x54: {  	[sflag:s26] =	ssyncset.done $0x0  }
0x55: {  	[sflag:s26] =	ssyncadd.s32 $0xFFFFF880  }
0x56: {  	_ =	swait.ge [sflag:s2], $0x1E00  }
0x57: {  	[sflag:s2] =	ssyncset.done $0x0  }
0x58: {  	s30 =	sadd.s32 $0x78, s29;
	[sflag:s2] =	ssyncadd.s32 $0xFFFFE200  }
0x59: {  	[spmem:s3] =	stream.indirect.scatter.add.bf16 [tilespmem:s0], [sflag:$0x6], $0x40, s30, s24, $0xb8;
	[tilespmem:$0x157C0] =	vst v63  }
0x5a: {  	_ =	swait.ge [sflag:s25], $0x1E00  }
0x5b: {  	[sflag:s25] =	ssyncset.done $0x0  }
0x5c: {  	[sflag:s25] =	ssyncadd.s32 $0xFFFFE200  }
0x5d: {  	[spmem:s4] =	stream.indirect.scatter.add.f32 [tilespmem:s20], [sflag:$0x5], $0x10, s30, s24, $0xb8;
	[tilespmem:$0x157C0] =	vst v63  }
0x5e: {  	_ =	swait.ge [sflag:s26], $0x780  }
0x5f: {  	[sflag:s26] =	ssyncset.done $0x0  }
0x60: {  	[sflag:s26] =	ssyncadd.s32 $0xFFFFF880  }
0x61: {  	s31 =	sor.u32 $0x1C05, s9;
	[bflag:$0x0] =	sbarrier.arrive $0xFFFF  }
0x62: {  	[hbm:s13], [sflag:s31] =	dma.local [spmem:s16], $0x13C0  }
0x63: {  	s28 =	sadd.s32 $0x1, s28;
	_ =	swait.ge [sflag:s26], $0x13C0  }
0x64: {  	p0 =	sne.s32 s28, s15;
	[sflag:s26] =	ssyncset.done $0x0  }
.Ltmp1:
0x65: {  	[sflag:s26] =	ssyncadd.s32 $0xFFFFEC40;
	(pc) =	sbr.rel @p0 .LBB2_1-.Ltmp1, $4  }
0x66: {  	[hbm:s14], [sflag:s31] =	dma.local [spmem:s19], $0x4F0  }
0x67: {  	_ =	swait.ge [sflag:s26], $0x4F0  }
0x68: {  	[sflag:s26] =	ssyncset.done $0x0  }
0x69: {  	[sflag:s26] =	ssyncadd.s32 $0xFFFFFB10  }
0x6a: {  	_ =	sfence.sel $0x180000  }
0x6b: {  	[bflag:$0x0] =	sbarrier.arrive $0xFFFF  }
0x6c: {  	_ =	strace $0x90000047  }
0x6d: {  	s0 =	stileid.u32;
	[bflag:$0x2] =	sbarrier.arrive $0xFFFF  }
0x6e: {  	p0 =	sne.s32 s0, $0x0;
	s0 =	rddreg [dreg:$0x4]  }
0x6f: {  	s0 =	sadd.s32 @!p0 $0x100000, s0  }
0x70: {  	[sflag:s0] =	ssyncadd.tile.s32 @!p0 $0x1;
	_ =	shalt  }
.Lfunc_end2:
_tile_overlayer_lowered:
.L_overlay_start_2:
0x71: {  	(tag) =	ssettag $0x2  }
0x72: {  	s0 =	rddreg [dreg:$0x0];
	s2 =	stileid.u32  }
0x73: {  	s1 =	rddreg [dreg:$0x1];
	p0 =	sne.s32 s2, $0x0  }
0x74: {  	s3 =	rddreg [dreg:$0x2];
	[bflag:$0x3] =	sbarrier.arrive $0xFFFF;
	s2 =	simm.s32 @!p0 $0x1C05  }
0x75: {  	[timem:s3], [sflag:s2] =	dma.local @!p0 [hbm:s0], s1  }
0x76: {  	s0 =	simm.s32 @!p0 $0x5  }
0x77: {  	_ =	swait.ge @!p0 [sflag:s0], s1  }
0x78: {  	s1 =	ssub.s32 @!p0 $0x0, s1;
	[sflag:s0] =	ssyncset.done @!p0 $0x0  }
0x79: {  	[sflag:s0] =	ssyncadd.s32 @!p0 s1  }
0x7a: {  	[bflag:$0x3] =	sbarrier.arrive $0xFFFF  }
0x7b: {  	_ =	shalt  }

// kernel: kernel.9.cloned.1.call-start
scs
__scs_entry_jumppad:
0x0: {  	(pc) =	sbr.rel $0x88, $3  }
0x1: {  	(tag) =	ssettag $0x0;
	lr =	simm.s32 $0x1  }
0x2: {  	[smem:$0x3F99] =	sst lr;
	_ =	strace $0xD0000000  }
0x3: {  	_ = 	snop  }
0x4: {  	_ = 	snop  }
0x5: {  	_ = 	snop  }
0x6: {  	_ = 	snop  }
0x7: {  	_ = 	snop  }
__scs_overlays_trampoline_lowered:
0x8: {  	[smem:$0x3FA8] =	sst s0  }
0x9: {  	[smem:$0x3FA9] =	sst s1  }
0xa: {  	[smem:$0x3FAA] =	sst s2  }
0xb: {  	[smem:$0x3FAB] =	sst s3  }
0xc: {  	[smem:$0x3FAC] =	sst s4  }
0xd: {  	[smem:$0x3FAD] =	sst s5  }
0xe: {  	[smem:$0x3FAE] =	sst s6  }
0xf: {  	[smem:$0x3FAF] =	sst s7  }
0x10: {  	[smem:$0x3FB0] =	sst s8  }
0x11: {  	[smem:$0x3FB1] =	sst s9;
	s0 =	simm.s32 @!p0 $0x0  }
0x12: {  	s1 =	sld [smem:$0x3F97];
	s0 =	simm.s32 @p0 $0x1  }
0x13: {  	[smem:$0x3FB2] =	sst s0;
	s0 =	simm.s32 @!p1 $0x0  }
0x14: {  	s2 =	sld [smem:$0x3F96];
	s0 =	simm.s32 @p1 $0x1  }
0x15: {  	[smem:$0x3FB3] =	sst s0;
	s0 =	simm.s32 @!p2 $0x0  }
0x16: {  	s3 =	sld [smem:$0x3FDB];
	s0 =	simm.s32 @p2 $0x1  }
0x17: {  	s4 =	simm.s32 $0x1BF5;
	[smem:$0x3FB5] =	sst s0  }
0x18: {  	s0 =	sld [smem:$0x3F98];
	_ =	swait.ge [sflag:s4], $0x0  }
0x19: {  	s7 =	sld [smem:$0x3F99]  }
0x1a: {  	s8 =	sadd.s32 $0xFFFFE003, lr  }
0x1b: {  	s9 =	sadd.s32 $0xFFFFFEF7, lr;
	s5 =	simm.s32 $0xFFFFFFFF;
	p2 =	slt.u32 s8, $0xFFFFF086  }
0x1c: {  	p1 =	slt.u32 s9, $0xF7A;
	s5 =	simm.s32 @!p2 $0x0  }
0x1d: {  	s5 =	simm.s32 @p1 $0x1;
	p0 =	seq.s32 s7, s2  }
0x1e: {  	s7 =	smul.u32 @!p0 $0xF7A, s2;
	p2 =	seq.s32 @!p0 s5, $0x0  }
0x1f: {  	s9 =	smul.u32 $0xF7A, s1;
	s8 =	simm.s32 @!p0 $0x1BF5;
	p2 =	por !p2, p0  }
0x20: {  	[sflag:s8] =	ssyncset.s32 @!p0 $0xFFFFF086;
	s6 =	sadd.s32 @!p0 s3, s7;
	s7 =	simm.s32 @!p0 $0x108  }
0x21: {  	s3 =	sadd.s32 s3, s9;
	s6 =	sadd.s32 @!p0 $0x88, s6;
	s7 =	simm.s32 @p2 $0x1082  }
0x22: {  	[simem:s7], [sflag:s8] =	dma.local @!p0 [hbm:s6], $0xF7A  }
0x23: {  	s9 =	sor.u32 $0xD0000000, s2;
	s6 =	simm.s32 $0x108;
	_ =	swait.ge @!p0 [sflag:s8], $0x0  }
0x24: {  	s3 =	sadd.s32 $0x88, s3;
	s6 =	simm.s32 @!p1 $0x1082;
	[sflag:s4] =	ssyncset.s32 $0xFFFFF086  }
0x25: {  	[simem:s6], [sflag:s4] =	dma.local [hbm:s3], $0xF7A  }
0x26: {  	[smem:$0x3F99] =	sst s1;
	(tag) =	ssettag s2;
	_ =	strace s9  }
0x27: {  	s1 =	sld [smem:$0x3FA9]  }
0x28: {  	s2 =	sld [smem:$0x3FAA]  }
0x29: {  	s4 =	sld [smem:$0x3FAC]  }
0x2a: {  	p0 =	seq.s32 s5, $0x0;
	s5 =	sld [smem:$0x3FAD]  }
0x2b: {  	s6 =	sld [smem:$0x3FAE]  }
0x2c: {  	s7 =	sld [smem:$0x3FAF]  }
0x2d: {  	s3 =	simm.s32 $0x108;
	s8 =	sld [smem:$0x3FB0]  }
0x2e: {  	s3 =	simm.s32 @!p0 $0x1082;
	s9 =	sld [smem:$0x3FB1]  }
0x2f: {  	lr =	sadd.s32 s0, s3;
	s0 =	sld [smem:$0x3FA8]  }
0x30: {  	s3 =	sld [smem:$0x3FAB]  }
0x31: {  	[smem:$0x3FB4] =	sst s10  }
0x32: {  	s10 =	sld [smem:$0x3FB2];
	_ =	sdelay $0x3  }
0x33: {  	p0 =	seq.s32 s10, $0x1;
	s10 =	sld [smem:$0x3FB4];
	_ =	sdelay $0x3  }
0x34: {  	[smem:$0x3FB4] =	sst s10  }
0x35: {  	s10 =	sld [smem:$0x3FB3];
	_ =	sdelay $0x3  }
0x36: {  	p1 =	seq.s32 s10, $0x1;
	s10 =	sld [smem:$0x3FB4];
	_ =	sdelay $0x3  }
0x37: {  	[smem:$0x3FB4] =	sst s10  }
0x38: {  	s10 =	sld [smem:$0x3FB5]  }
0x39: {  	_ = 	snop;
	(pc) =	sbr.ind lr, $3  }
0x3a: {  	_ = 	snop  }
0x3b: {  	_ = 	snop  }
0x3c: {  	p2 =	seq.s32 s10, $0x1;
	s10 =	sld [smem:$0x3FB4]  }
0x3d: {  	_ =	shalt  }
0x3e: {  	_ =	shalt  }
0x3f: {  	_ =	shalt  }
0x40: {  	_ =	shalt  }
0x41: {  	_ =	shalt  }
0x42: {  	_ =	shalt  }
0x43: {  	_ =	shalt  }
0x44: {  	_ =	shalt  }
0x45: {  	_ =	shalt  }
0x46: {  	_ =	shalt  }
0x47: {  	_ =	shalt  }
0x48: {  	_ =	shalt  }
0x49: {  	_ =	shalt  }
0x4a: {  	_ =	shalt  }
0x4b: {  	_ =	shalt  }
0x4c: {  	_ =	shalt  }
0x4d: {  	_ =	shalt  }
0x4e: {  	_ =	shalt  }
0x4f: {  	_ =	shalt  }
0x50: {  	_ =	shalt  }
0x51: {  	_ =	shalt  }
0x52: {  	_ =	shalt  }
0x53: {  	_ =	shalt  }
0x54: {  	_ =	shalt  }
0x55: {  	_ =	shalt  }
0x56: {  	_ =	shalt  }
0x57: {  	_ =	shalt  }
0x58: {  	_ =	shalt  }
0x59: {  	_ =	shalt  }
0x5a: {  	_ =	shalt  }
0x5b: {  	_ =	shalt  }
0x5c: {  	_ =	shalt  }
0x5d: {  	_ =	shalt  }
0x5e: {  	_ =	shalt  }
0x5f: {  	_ =	shalt  }
0x60: {  	_ =	shalt  }
0x61: {  	_ =	shalt  }
0x62: {  	_ =	shalt  }
0x63: {  	_ =	shalt  }
0x64: {  	_ =	shalt  }
0x65: {  	_ =	shalt  }
0x66: {  	_ =	shalt  }
0x67: {  	_ =	shalt  }
0x68: {  	_ =	shalt  }
0x69: {  	_ =	shalt  }
0x6a: {  	_ =	shalt  }
0x6b: {  	_ =	shalt  }
0x6c: {  	_ =	shalt  }
0x6d: {  	_ =	shalt  }
0x6e: {  	_ =	shalt  }
0x6f: {  	_ =	shalt  }
0x70: {  	_ =	shalt  }
0x71: {  	_ =	shalt  }
0x72: {  	_ =	shalt  }
0x73: {  	_ =	shalt  }
0x74: {  	_ =	shalt  }
0x75: {  	_ =	shalt  }
0x76: {  	_ =	shalt  }
0x77: {  	_ =	shalt  }
0x78: {  	_ =	shalt  }
0x79: {  	_ =	shalt  }
0x7a: {  	_ =	shalt  }
0x7b: {  	_ =	shalt  }
0x7c: {  	_ =	shalt  }
0x7d: {  	_ =	shalt  }
0x7e: {  	_ =	shalt  }
0x7f: {  	_ =	shalt  }
0x80: {  	_ =	shalt  }
0x81: {  	_ =	shalt  }
0x82: {  	_ =	shalt  }
0x83: {  	_ =	shalt  }
0x84: {  	_ =	shalt  }
0x85: {  	_ =	shalt  }
0x86: {  	_ =	shalt  }
0x87: {  	_ =	shalt  }
.Lfunc_end0:
.L_simem_size_0:
called_computation.1_lowered:
.L_overlay_start_0:
0x88: {  	s2 =	sld [smem:$0x3FD9]  }
0x89: {  	s3 =	sld [smem:$0x3FFE];
	_ =	sdelay $0x1  }
0x8a: {  	s1 =	srdreg.scid  }
0x8b: {  	s0 =	sand.u32 $0x1, s1  }
0x8c: {  	s17 =	sshll.u32 s0, $0xA;
	s2 =	sadd.s32 s3, s2  }
0x8d: {  	s2 =	sadd.s32 s2, s17  }
0x8e: {  	[smem:$0x3FC0] =	sst s2  }
0x8f: {  	_ = 	snop  }
0x90: {  	s2 =	sld [smem:$0x3FD0];
	(tm) =	ssettm $0x1  }
0x91: {  	s18 =	sld [smem:$0x3FFB];
	_ =	sdelay $0x3  }
0x92: {  	_ =	strace s18  }
0x93: {  	s3 =	sld [smem:$0x3FFC];
	_ =	sdelay $0x3  }
0x94: {  	_ =	strace s3  }
0x95: {  	s3 =	sld [smem:$0x3FFD];
	_ =	sdelay $0x3  }
0x96: {  	_ =	strace s3  }
0x97: {  	_ =	strace $0x8FFFFFFF  }
0x98: {  	s19 =	sld [smem:$0x3FDB];
	_ =	sdelay $0x1  }
0x99: {  	s4 =	simm.s32 $_scs_section_size  }
0x9a: {  	s5 =	simm.s32 $_size__tile_overlayer_lowered;
	s6 =	simm.s32 $_tile_overlayer_lowered  }
0x9b: {  	s22 =	simm.s32 $0x1BFF;
	s21 =	sshll.u32 s6, $0x1;
	s3 =	sadd.s32 s4, s19  }
0x9c: {  	s7 =	simm.s32 $0x0;
	s20 =	sshll.u32 s5, $0x1;
	s5 =	sadd.s32 s21, s3  }
0x9d: {  	[timem:s7], [sflag:s22] =	dma.local [hbm:s5], s20  }
0x9e: {  	_ =	swait.ge [sflag:s22], s20  }
0x9f: {  	s4 =	ssub.s32 $0x0, s20;
	[sflag:s22] =	ssyncset.done $0x0  }
0xa0: {  	[sflag:s22] =	ssyncadd.s32 s4;
	_ =	sdelay $0x1  }
0xa1: {  	s23 =	simm.s32 $0x1B8B  }
0xa2: {  	_ =	swait.ge [sflag:s23], $0x1  }
0xa3: {  	[sflag:s23] =	ssyncset.done $0x0  }
0xa4: {  	s25 =	simm.s32 $0x1B8E;
	s24 =	sld [smem:$0x3FFE];
	[sflag:s23] =	ssyncadd.s32 $0xFFFFFFFF  }
0xa5: {  	s26 =	simm.s32 $execute0_lowered;
	[smem:$0x3FD2] =	sst s25  }
0xa6: {  	s5 =	sshll.u32 s26, $0x1;
	_ =	strace $0x80000049;
	[dreg:$0x1] =	wrdreg $0xFFFFFFFF  }
0xa7: {  	s28 =	simm.s32 $_size_execute0_lowered;
	s3 =	sadd.s32 s3, s5;
	[dreg:$0x0] =	wrdreg $0x0  }
0xa8: {  	s5 =	sshll.u32 s28, $0x1;
	[dreg:$0x2] =	wrdreg s3  }
0xa9: {  	[dreg:$0x3] =	wrdreg s5  }
0xaa: {  	[dreg:$0x4] =	wrdreg $0xC0  }
0xab: {  	_ =	task [dreg:s7], $0x5FFFF  }
0xac: {  	[dreg:$0x1] =	wrdreg $0xFFFFFFFF  }
0xad: {  	[dreg:$0x0] =	wrdreg $0x60  }
0xae: {  	[dreg:$0x2] =	wrdreg s2  }
0xaf: {  	[dreg:$0x3] =	wrdreg s24  }
0xb0: {  	[dreg:$0x4] =	wrdreg $0x8AC00  }
0xb1: {  	[dreg:$0x5] =	wrdreg $0x9  }
0xb2: {  	_ =	task.clear_ibuf [dreg:s7], $0x6FFFF;
	_ =	strace $0x90000049  }
0xb3: {  	s29 =	simm.s32 $0x9;
	_ =	strace $0x8000004B  }
0xb4: {  	_ =	swait.ge [sflag:s29], $0x1  }
0xb5: {  	[sflag:s29] =	ssyncadd.s32 $0xFFFFFFFF  }
0xb6: {  	_ =	strace $0x9000004B  }
0xb7: {  	_ =	sfence  }
0xb8: {  	s30 =	sld [smem:$0x0];
	_ =	sdelay $0x2  }
0xb9: {  	s31 =	sshll.u32 s1, $0xD;
	s1 =	sshrl.u32 s1, $0x2  }
0xba: {  	s3 =	sand.u32 $0x4000, s31;
	s1 =	sadd.s32 s1, s30  }
0xbb: {  	s0 =	sor.u32 s3, s0;
	s1 =	sshll.u32 s1, $0x11  }
0xbc: {  	s0 =	sor.u32 s1, s0  }
0xbd: {  	s0 =	sadd.s32 $0x8F2B, s0  }
0xbe: {  	[sflag:s0] =	ssyncadd.remote.s32 $0x1  }
0xbf: {  	_ =	sfence.sel $0xFFFF  }
0xc0: {  	[dreg:$0x0] =	wrdreg $0xFFFFFFFF;
	(pc) =	sbr.abs _section_cstart, $3  }
0xc1: {  	[dreg:$0x1] =	wrdreg $0xFFFFFFFF  }
0xc2: {  	_ =	task.clear_ibuf [dreg:s7], $0x2FFFF;
	_ =	strace $0x9FFFFFFF  }
0xc3: {  	(tm) =	ssettm $0x7FFFFFFF  }
tec
execute0_lowered:
.L_overlay_start_1:
0x0: {  	(tag) =	ssettag $0x1  }
0x1: {  	s2 =	rddreg [dreg:$0x0]  }
0x2: {  	s7 =	rddreg [dreg:$0x1]  }
0x3: {  	s0 =	srdreg.scid;
	s3 =	rddreg [dreg:$0x2];
	s4 =	simm.s32 $0x0  }
0x4: {  	s14 =	simm.s32 $0x4;
	s15 =	simm.s32 $0x4EC0;
	s16 =	simm.s32 $0x78  }
0x5: {  	s17 =	simm.s32 $0x5;
	s6 =	sand.u32 $0x1, s0;
	s0 =	stileid.u32  }
0x6: {  	s18 =	simm.s32 $0x0;
	s1 =	sshll.u32 s6, $0x4;
	s8 =	smul.u32 $0x13C00, s0  }
0x7: {  	s9 =	smul.u32 $0x13C000, s6;
	s6 =	ssub.s32 $0x2, s6;
	s1 =	sor.u32 s0, s1  }
0x8: {  	[smem:$0x7FF] =	sst s4;
	s31 =	sshrl.u32 s6, $0x1;
	s5 =	smul.u32 $0x4EC, s1  }
0x9: {  	s1 =	rddreg [dreg:$0x3];
	_ =	strace $0x8000004A;
	s9 =	sadd.s32 s8, s9  }
0xa: {  	s8 =	sshrl.u32 s8, $0x1;
	s12 =	ssub.s32 s6, s31;
	s6 =	sshll.u32 s0, $0x6  }
0xb: {  	s9 =	sshrl.u32 s9, $0x4;
	s13 =	sadd.s32 s8, s3;
	s10 =	sadd.s32 s5, s7  }
0xc: {  	s5 =	sadd.s32 $0x2A00, s7;
	s11 =	sadd.s32 s9, s7;
	s7 =	sor.u32 $0x1C04, s6  }
0xd: {  	s8 =	sadd.s32 $0xDC00, s10;
	s9 =	sadd.s32 $0x3E00, s10;
	s10 =	sadd.s32 $0x67200, s11  }
0xe: {  	s11 =	smax.u32 s12, $0x1;
	s12 =	sshrl.u32 s13, $0x3;
	s13 =	simm.s32 $0x3  }
.LBB2_1:
0xf: {  	[spmem:s12], [sflag:s7] =	dma.local [hbm:s5], $0x13C0  }
0x10: {  	[tilespmem:s4], [sflag:$0x1] =	stream.linear.gather [hbm4b:s8+s4], $0x2760, $0x38;
	[tilespmem:$0x128C0] =	vst v63  }
0x11: {  	s19 =	simm.s32 $0x2760;
	s20 =	simm.s32 $0x1  }
0x12: {  	[tilespmem:s19], [sflag:$0x3] =	stream.linear.gather [hbm4b:s9+s4], $0x2760, $0x38;
	[tilespmem:$0x128C0] =	vst v63  }
0x13: {  	_ =	swait.ge [sflag:s20], $0x2760  }
0x14: {  	[sflag:s20] =	ssyncset.done $0x0  }
0x15: {  	[sflag:s20] =	ssyncadd.s32 $0xFFFFD8A0  }
0x16: {  	_ =	swait.ge [sflag:s13], $0x2760  }
0x17: {  	[sflag:s13] =	ssyncset.done $0x0  }
0x18: {  	[sflag:s13] =	ssyncadd.s32 $0xFFFFD8A0  }
0x19: {  	s20 =	sand.u32 $0x1, s20;
	_ =	swait.ge [sflag:s14], $0x13C0  }
0x1a: {  	s22 =	simm.s32 $0x0;
	s21 =	smul.u32 $0x7800, s20;
	[sflag:s14] =	ssyncset.done $0x0  }
0x1b: {  	s22 =	sand.u32 $0x1, s22;
	[sflag:s14] =	ssyncadd.s32 $0xFFFFEC40  }
0x1c: {  	s23 =	smul.u32 $0x7800, s22;
	s21 =	sshrl.u32 s21, $0x2;
	[bflag:$0x0] =	sbarrier.arrive $0xFFFF  }
0x1d: {  	[tilespmem:s15], [sflag:$0x1] =	stream.indirect.gather [hbm4b:s2+s16], $0x40, s4, s16, $0xb8;
	[tilespmem:$0x128C0] =	vst v63  }
0x1e: {  	s24 =	sadd.s32 $0x1, s22;
	s20 =	sadd.s32 $0x1, s20;
	s21 =	sadd.s32 $0x4EC0, s21  }
0x1f: {  	[tilespmem:s21], [sflag:s20] =	stream.indirect.gather [hbm4b:s2+s16], $0x40, s16, s16, $0xb8;
	[tilespmem:$0x128C0] =	vst v63  }
0x20: {  	s22 =	simm.s32 $0x2;
	_ =	swait.ge [sflag:s24], $0x1E00  }
0x21: {  	s31 =	sshrl.u32 s23, $0x2;
	s23 =	simm.s32 $0x3;
	[sflag:s24] =	ssyncset.done $0x0  }
0x22: {  	s20 =	sadd.s32 $0x4EC0, s31;
	s21 =	sand.u32 $0x1, s22;
	[sflag:s24] =	ssyncadd.s32 $0xFFFFE200  }
0x23: {  	[spmem:s3] =	stream.indirect.scatter.add.bf16 [tilespmem:s20], [sflag:$0x5], $0x40, s19, s16, $0xb8;
	[tilespmem:$0x128C0] =	vst v63  }
0x24: {  	s24 =	smul.u32 $0x7800, s21;
	s20 =	simm.s32 $0xF0;
	_ =	swait.ge [sflag:s17], $0x1E00  }
.LBB2_2:
0x25: {  	[sflag:s17] =	ssyncset.done $0x0  }
0x26: {  	s19 =	sadd.s32 $0x78, s19;
	s25 =	smov.u32 s23;
	s26 =	sadd.s32 $0x1, s23  }
0x27: {  	s22 =	sadd.s32 $0xFFFFFFFF, s22;
	s24 =	sshrl.u32 s24, $0x2;
	[sflag:s17] =	ssyncadd.s32 $0xFFFFE200  }
0x28: {  	s21 =	sadd.s32 $0x1, s21;
	s22 =	sand.u32 $0x1, s22;
	s24 =	sadd.s32 $0x4EC0, s24  }
0x29: {  	p0 =	sne.s32 s23, $0x53;
	s23 =	smul.u32 $0x7800, s22;
	s28 =	sadd.s32 $0x1, s22  }
0x2a: {  	[tilespmem:s24], [sflag:s21] =	stream.indirect.gather [hbm4b:s2+s16], $0x40, s20, s16, $0xb8;
	[tilespmem:$0x128C0] =	vst v63  }
.Ltmp0:
0x2b: {  	s21 =	sshrl.u32 s23, $0x2;
	_ =	swait.ge [sflag:s28], $0x1E00;
	(pc) =	sbr.rel @p0 .LBB2_2-.Ltmp0, $4  }
0x2c: {  	s22 =	smov.u32 s25;
	s23 =	sadd.s32 $0x4EC0, s21;
	[sflag:s28] =	ssyncset.done $0x0  }
0x2d: {  	s20 =	sadd.s32 $0x78, s20;
	s21 =	sand.u32 $0x1, s22;
	[sflag:s28] =	ssyncadd.s32 $0xFFFFE200  }
0x2e: {  	[spmem:s3] =	stream.indirect.scatter.add.bf16 [tilespmem:s23], [sflag:$0x5], $0x40, s19, s16, $0xb8;
	[tilespmem:$0x128C0] =	vst v63  }
0x2f: {  	s24 =	smul.u32 $0x7800, s21;
	s23 =	smov.u32 s26;
	_ =	swait.ge [sflag:s17], $0x1E00  }
0x30: {  	[sflag:s17] =	ssyncset.done $0x0;
	s22 =	sadd.s32 $0xFFFFFFFF, s22;
	s21 =	sadd.s32 $0x1, s21  }
0x31: {  	s23 =	sshrl.u32 s24, $0x2;
	[sflag:s17] =	ssyncadd.s32 $0xFFFFE200;
	s22 =	sand.u32 $0x1, s22  }
0x32: {  	s23 =	sadd.s32 $0x4EC0, s23;
	s29 =	smul.u32 $0x7800, s22;
	s22 =	sadd.s32 $0x1, s22  }
0x33: {  	[tilespmem:s23], [sflag:s21] =	stream.indirect.gather [hbm4b:s2+s16], $0x40, s20, s16, $0xb8;
	[tilespmem:$0x128C0] =	vst v63  }
0x34: {  	_ =	swait.ge [sflag:s22], $0x1E00  }
0x35: {  	s30 =	sshrl.u32 s29, $0x2;
	[sflag:s22] =	ssyncset.done $0x0  }
0x36: {  	s19 =	sadd.s32 $0x78, s19;
	s20 =	sadd.s32 $0x4EC0, s30;
	[sflag:s22] =	ssyncadd.s32 $0xFFFFE200  }
0x37: {  	[spmem:s3] =	stream.indirect.scatter.add.bf16 [tilespmem:s20], [sflag:$0x5], $0x40, s19, s16, $0xb8;
	[tilespmem:$0x128C0] =	vst v63  }
0x38: {  	_ =	swait.ge [sflag:s17], $0x1E00  }
0x39: {  	[sflag:s17] =	ssyncset.done $0x0  }
0x3a: {  	[sflag:s17] =	ssyncadd.s32 $0xFFFFE200  }
0x3b: {  	_ =	swait.ge [sflag:s21], $0x1E00  }
0x3c: {  	[sflag:s21] =	ssyncset.done $0x0  }
0x3d: {  	s19 =	sadd.s32 $0x78, s19;
	[sflag:s21] =	ssyncadd.s32 $0xFFFFE200  }
0x3e: {  	[spmem:s3] =	stream.indirect.scatter.add.bf16 [tilespmem:s23], [sflag:$0x5], $0x40, s19, s16, $0xb8;
	[tilespmem:$0x128C0] =	vst v63  }
0x3f: {  	_ =	swait.ge [sflag:s17], $0x1E00  }
0x40: {  	s18 =	sadd.s32 $0x1, s18;
	[sflag:s17] =	ssyncset.done $0x0  }
0x41: {  	p0 =	sne.s32 s18, s11;
	[sflag:s17] =	ssyncadd.s32 $0xFFFFE200  }
.Ltmp1:
0x42: {  	s31 =	sor.u32 $0x1C05, s6;
	[bflag:$0x0] =	sbarrier.arrive $0xFFFF;
	(pc) =	sbr.rel @p0 .LBB2_1-.Ltmp1, $4  }
0x43: {  	[hbm:s10], [sflag:s31] =	dma.local [spmem:s12], $0x13C0  }
0x44: {  	_ =	swait.ge [sflag:s17], $0x13C0  }
0x45: {  	[sflag:s17] =	ssyncset.done $0x0  }
0x46: {  	[sflag:s17] =	ssyncadd.s32 $0xFFFFEC40  }
0x47: {  	_ =	sfence.sel $0x180000  }
0x48: {  	[bflag:$0x0] =	sbarrier.arrive $0xFFFF  }
0x49: {  	p0 =	sne.s32 s0, $0x0;
	_ =	strace $0x9000004A  }
0x4a: {  	s0 =	sadd.s32 @!p0 $0x100000, s1;
	[bflag:$0x2] =	sbarrier.arrive $0xFFFF  }
0x4b: {  	[sflag:s0] =	ssyncadd.tile.s32 @!p0 $0x1;
	_ =	shalt  }
.Lfunc_end2:
_tile_overlayer_lowered:
.L_overlay_start_2:
0x4c: {  	(tag) =	ssettag $0x2  }
0x4d: {  	s0 =	rddreg [dreg:$0x0];
	s2 =	stileid.u32  }
0x4e: {  	s1 =	rddreg [dreg:$0x1];
	p0 =	sne.s32 s2, $0x0  }
0x4f: {  	s3 =	rddreg [dreg:$0x2];
	[bflag:$0x3] =	sbarrier.arrive $0xFFFF;
	s2 =	simm.s32 @!p0 $0x1C05  }
0x50: {  	[timem:s3], [sflag:s2] =	dma.local @!p0 [hbm:s0], s1  }
0x51: {  	s0 =	simm.s32 @!p0 $0x5  }
0x52: {  	_ =	swait.ge @!p0 [sflag:s0], s1  }
0x53: {  	s1 =	ssub.s32 @!p0 $0x0, s1;
	[sflag:s0] =	ssyncset.done @!p0 $0x0  }
0x54: {  	[sflag:s0] =	ssyncadd.s32 @!p0 s1  }
0x55: {  	[bflag:$0x3] =	sbarrier.arrive $0xFFFF  }
0x56: {  	_ =	shalt  }

</sc_bundles>
